<compile_context>
chip_gen: v7x
topology: tpu7x:2x2x1
jax: 0.10.2.dev20260603
libtpu: 0.0.44.dev20260713+nightly
codegen_flags: <defaults>
</compile_context>

<pallas_src>
import functools

import jax
import jax.numpy as jnp
from jax import lax
from jax.experimental import pallas as pl
from jax.experimental.pallas import tpu as pltpu
from jax.experimental.pallas import tpu_sc as plsc

B, L, D, V = 4096, 200, 128, 10000
NC, NS = 2, 16
NW = NC * NS
RPW = B // NW
HL = L // 2
NH = 2 * RPW
NG = D // 32

def _enc_body(tok_hbm, w_hbm, out_hbm, tok_v, rows0_v, rows1_v, out_v,
              w_sh, sem0, sem1):
    wid = lax.axis_index("s") * NC + lax.axis_index("c")
    base_h = wid * NH

    @pl.when(lax.axis_index("s") == 0)
    def _():
        pltpu.sync_copy(w_hbm, w_sh)

    plsc.subcore_barrier()

    pltpu.sync_copy(tok_hbm.at[pl.ds(base_h, NH)], tok_v)

    def issue(r, rows_v, sem):
        pltpu.async_copy(w_sh.at[tok_v.at[2 * r]],
                         rows_v.at[pl.ds(0, HL)], sem)
        pltpu.async_copy(w_sh.at[tok_v.at[2 * r + 1]],
                         rows_v.at[pl.ds(HL, HL)], sem)

    def wait(rows_v, sem):
        pltpu.make_async_copy(w_sh.at[tok_v.at[0]],
                              rows_v.at[pl.ds(0, HL)], sem).wait()
        pltpu.make_async_copy(w_sh.at[tok_v.at[0]],
                              rows_v.at[pl.ds(HL, HL)], sem).wait()

    def accum_store(r, rows_v):
        def body(l, accs):
            new = []
            for g in range(NG):
                xi = rows_v[l, pl.ds(g * 16, 16)]
                lo = lax.bitcast_convert_type(
                    xi << jnp.int32(16), jnp.float32)
                hi = lax.bitcast_convert_type(xi, jnp.float32)
                new.append(accs[2 * g] + lo)
                new.append(accs[2 * g + 1] + hi)
            return tuple(new)

        accs = tuple(jnp.zeros((16,), jnp.float32) for _ in range(2 * NG))
        accs = lax.fori_loop(0, L, body, accs, unroll=2)
        for g in range(NG):
            out_v[r, pl.ds(g * 16, 16)] = accs[2 * g] * jnp.float32(1.0 / L)
            out_v[r, pl.ds(64 + g * 16, 16)] = (accs[2 * g + 1]
                                                * jnp.float32(1.0 / L))

    npair = RPW // 2
    issue(0, rows0_v, sem0)

    def pair_body(i, carry):
        r0 = 2 * i
        issue(r0 + 1, rows1_v, sem1)
        wait(rows0_v, sem0)
        accum_store(r0, rows0_v)

        @pl.when(i < npair - 1)
        def _():
            issue(r0 + 2, rows0_v, sem0)

        wait(rows1_v, sem1)
        accum_store(r0 + 1, rows1_v)
        return carry

    lax.fori_loop(0, npair, pair_body, 0)

    pltpu.sync_copy(out_v, out_hbm.at[pl.ds(wid * RPW, RPW)])


@jax.jit
def _encode(tok2, w_bf):
    mesh = plsc.VectorSubcoreMesh(core_axis_name="c", subcore_axis_name="s")
    f = functools.partial(
        pl.kernel,
        mesh=mesh,
        compiler_params=pltpu.CompilerParams(use_tc_tiling_on_sc=False),
        out_type=jax.ShapeDtypeStruct((B, D), jnp.float32),
        scratch_types=[
            pltpu.VMEM((NH, HL), jnp.int32),
            pltpu.VMEM((L, D // 2), jnp.int32),
            pltpu.VMEM((L, D // 2), jnp.int32),
            pltpu.VMEM((RPW, D), jnp.float32),
            pltpu.VMEM_SHARED((V, D // 2), jnp.int32),
            pltpu.SemaphoreType.DMA,
            pltpu.SemaphoreType.DMA,
        ],
    )(_enc_body)
    return f(tok2, w_bf)


def _pack_body(w_ref, out_ref):
    u = lax.bitcast_convert_type(w_ref[...], jnp.uint32)
    te = u[:, :D // 2]
    to = u[:, D // 2:]
    t = (te + jnp.uint32(0x7FFF) + ((te >> 16) & jnp.uint32(1))) >> 16
    h = jnp.where(to >= t + jnp.uint32(32768),
                  (to - t + jnp.uint32(32768)) >> 16, to >> 16)
    out_ref[...] = lax.bitcast_convert_type((h << 16) | t, jnp.int32)


def _pack_table(W):
    return pl.pallas_call(
        _pack_body,
        grid=(5,),
        in_specs=[pl.BlockSpec((V // 5, D), lambda i: (i, 0))],
        out_specs=pl.BlockSpec((V // 5, D // 2), lambda i: (i, 0)),
        out_shape=jax.ShapeDtypeStruct((V, D // 2), jnp.int32),
    )(W)


def kernel(text_tokens, W):
    tok2 = text_tokens.astype(jnp.int32).reshape(2 * B, HL)
    return _encode(tok2, _pack_table(W))

# --- scband reference (transcript-rebuilt; emitter-appended) ---
"""Pipeline reference for scband-text-encoder-80650895884874 (READ-ONLY COPY).

The authoritative reference and input builder live on the scoring server;
editing this copy changes nothing except your own understanding.
"""

import jax, jax.numpy as jnp
import numpy as np


def setup_inputs(seed: int = 0) -> dict:
    key = jax.random.key(seed)
    k1, k2 = jax.random.split(key)
    text_tokens = jax.random.randint(k1, (4096, 200), 0, 10000, dtype=jnp.int64)
    # embedding table: nn.Embedding(10000, 128), default init N(0,1)
    W = jax.random.normal(k2, (10000, 128), dtype=jnp.float32)
    return {"text_tokens": text_tokens, "W": W}


def reference(text_tokens, W):
    # emb = self.embedding(text_tokens)  -> gather rows
    emb = jnp.take(W, text_tokens, axis=0)  # [B, L, D]
    # return emb.mean(dim=1)
    return emb.mean(axis=1)  # [B, D]

if __name__ == "__main__":
    import jax
    _d = setup_inputs()
    print(jax.jit(kernel)(*tuple(_d.values())))

</pallas_src>

<mosaic_0001>
#map = affine_map<(d0, d1) -> (0, 0)>
module attributes {stable_mosaic.version = 14 : i64} {
  func.func @_enc_body(%arg0: i32, %arg1: i32, %arg2: memref<8192x100xi32, #tpu.memory_space<hbm>>, %arg3: memref<10000x64xi32, #tpu.memory_space<hbm>>, %arg4: memref<4096x128xf32, #tpu.memory_space<hbm>>, %arg5: memref<256x100xi32, #tpu.memory_space<vmem>>, %arg6: memref<200x64xi32, #tpu.memory_space<vmem>>, %arg7: memref<200x64xi32, #tpu.memory_space<vmem>>, %arg8: memref<128x128xf32, #tpu.memory_space<vmem>>, %arg9: memref<10000x64xi32, #tpu.memory_space<vmem_shared>>, %arg10: memref<!tpu.dma_semaphore, #tpu.memory_space<semaphore_mem>>, %arg11: memref<!tpu.dma_semaphore, #tpu.memory_space<semaphore_mem>>) attributes {dimension_semantics = [#tpu.dimension_semantics<core_parallel>, #tpu.dimension_semantics<subcore_parallel>], iteration_bounds = array<i64: 2, 16>, scalar_prefetch = 0 : i64, scratch_operands = 7 : i64, tpu.core_type = #tpu.core_type<sc_vector_subcore>, window_params = [{transform_indices = #map}, {transform_indices = #map}, {transform_indices = #map}]} {
    %mul3A = arith.constant 2 : i32
    %mul3A_0 = arith.muli %arg1, %mul3A : i32
    %add3A = arith.addi %mul3A_0, %arg0 : i32
    %mul3A_1 = arith.constant 256 : i32
    %mul3A_2 = arith.muli %add3A, %mul3A_1 : i32
    %eq3A = arith.constant 0 : i32
    %eq3A_3 = arith.cmpi eq, %arg1, %eq3A : i32
    %convert_element_type3A = arith.extui %eq3A_3 : i1 to i32
    %cond3A = arith.constant 0 : i32
    %cond3A_4 = arith.cmpi ne, %convert_element_type3A, %cond3A : i32
    scf.if %cond3A_4 {
      "tpu.region"() ({
        %run_scoped3A = tpu.sem_alloc : memref<!tpu.dma_semaphore, #tpu.memory_space<semaphore_mem>>
        tpu.enqueue_dma source(%arg3 : memref<10000x64xi32, #tpu.memory_space<hbm>>) target(%arg9 : memref<10000x64xi32, #tpu.memory_space<vmem_shared>>) target_semaphore(%run_scoped3A : memref<!tpu.dma_semaphore, #tpu.memory_space<semaphore_mem>>)
        tpu.wait_dma2 semaphore(%run_scoped3A : memref<!tpu.dma_semaphore, #tpu.memory_space<semaphore_mem>>) src(%arg3 : memref<10000x64xi32, #tpu.memory_space<hbm>>) dst(%arg9 : memref<10000x64xi32, #tpu.memory_space<vmem_shared>>)
        tpu.yield
      }) : () -> ()
    } else {
    }
    %barrier3A = arith.constant 0 : index
    tpu.barrier barrier_id(%barrier3A)
    "tpu.region"() ({
      %run_scoped3A = tpu.sem_alloc : memref<!tpu.dma_semaphore, #tpu.memory_space<semaphore_mem>>
      %dma_start3A_31 = arith.constant 0 : i32
      %dma_start3A_32 = tpu.memref_slice %arg2[%mul3A_2, %dma_start3A_31] : memref<8192x100xi32, #tpu.memory_space<hbm>> -> memref<256x100xi32, #tpu.memory_space<hbm>>
      %dma_start3A_33 = arith.constant 0 : i32
      %dma_start3A_34 = tpu.memref_slice %arg2[%mul3A_2, %dma_start3A_33] : memref<8192x100xi32, #tpu.memory_space<hbm>> -> memref<256x100xi32, #tpu.memory_space<hbm>>
      tpu.enqueue_dma source(%dma_start3A_34 : memref<256x100xi32, #tpu.memory_space<hbm>>) target(%arg5 : memref<256x100xi32, #tpu.memory_space<vmem>>) target_semaphore(%run_scoped3A : memref<!tpu.dma_semaphore, #tpu.memory_space<semaphore_mem>>)
      %dma_wait3A = arith.constant 0 : i32
      %dma_wait3A_35 = tpu.memref_slice %arg2[%mul3A_2, %dma_wait3A] : memref<8192x100xi32, #tpu.memory_space<hbm>> -> memref<256x100xi32, #tpu.memory_space<hbm>>
      %dma_wait3A_36 = arith.constant 0 : i32
      %dma_wait3A_37 = tpu.memref_slice %arg2[%mul3A_2, %dma_wait3A_36] : memref<8192x100xi32, #tpu.memory_space<hbm>> -> memref<256x100xi32, #tpu.memory_space<hbm>>
      tpu.wait_dma2 semaphore(%run_scoped3A : memref<!tpu.dma_semaphore, #tpu.memory_space<semaphore_mem>>) src(%dma_wait3A_37 : memref<256x100xi32, #tpu.memory_space<hbm>>) dst(%arg5 : memref<256x100xi32, #tpu.memory_space<vmem>>)
      tpu.yield
    }) : () -> ()
    %dma_start3A = arith.constant 0 : i32
    %dma_start3A_5 = arith.constant 0 : i32
    %dma_start3A_6 = arith.constant 0 : i32
    %dma_start3A_7 = tpu.memref_slice %arg6[%dma_start3A_5, %dma_start3A_6] : memref<200x64xi32, #tpu.memory_space<vmem>> -> memref<100x64xi32, #tpu.memory_space<vmem>>
    %dma_start3A_8 = arith.constant 0 : i32
    %dma_start3A_9 = tpu.memref_slice %arg5[%dma_start3A, %dma_start3A_8] : memref<256x100xi32, #tpu.memory_space<vmem>> -> memref<1x100xi32, #tpu.memory_space<vmem>>
    %dma_start3A_10 = tpu.memref_squeeze %dma_start3A_9 : memref<1x100xi32, #tpu.memory_space<vmem>> -> memref<100xi32, #tpu.memory_space<vmem>>
    %dma_start3A_11 = arith.constant 0 : i32
    %dma_start3A_12 = arith.constant 0 : i32
    %dma_start3A_13 = tpu.memref_slice %arg9[%dma_start3A_11, %dma_start3A_12] : memref<10000x64xi32, #tpu.memory_space<vmem_shared>> -> memref<10000x64xi32, #tpu.memory_space<vmem_shared>>
    tpu.enqueue_indirect_dma source(%dma_start3A_13 : memref<10000x64xi32, #tpu.memory_space<vmem_shared>>) target(%dma_start3A_7 : memref<100x64xi32, #tpu.memory_space<vmem>>) offsets(%dma_start3A_10 : memref<100xi32, #tpu.memory_space<vmem>>) semaphore(%arg10 : memref<!tpu.dma_semaphore, #tpu.memory_space<semaphore_mem>>)
    %dma_start3A_14 = arith.constant 1 : i32
    %dma_start3A_15 = arith.constant 100 : i32
    %dma_start3A_16 = arith.constant 0 : i32
    %dma_start3A_17 = tpu.memref_slice %arg6[%dma_start3A_15, %dma_start3A_16] : memref<200x64xi32, #tpu.memory_space<vmem>> -> memref<100x64xi32, #tpu.memory_space<vmem>>
    %dma_start3A_18 = arith.constant 0 : i32
    %dma_start3A_19 = tpu.memref_slice %arg5[%dma_start3A_14, %dma_start3A_18] : memref<256x100xi32, #tpu.memory_space<vmem>> -> memref<1x100xi32, #tpu.memory_space<vmem>>
    %dma_start3A_20 = tpu.memref_squeeze %dma_start3A_19 : memref<1x100xi32, #tpu.memory_space<vmem>> -> memref<100xi32, #tpu.memory_space<vmem>>
    %dma_start3A_21 = arith.constant 0 : i32
    %dma_start3A_22 = arith.constant 0 : i32
    %dma_start3A_23 = tpu.memref_slice %arg9[%dma_start3A_21, %dma_start3A_22] : memref<10000x64xi32, #tpu.memory_space<vmem_shared>> -> memref<10000x64xi32, #tpu.memory_space<vmem_shared>>
    tpu.enqueue_indirect_dma source(%dma_start3A_23 : memref<10000x64xi32, #tpu.memory_space<vmem_shared>>) target(%dma_start3A_17 : memref<100x64xi32, #tpu.memory_space<vmem>>) offsets(%dma_start3A_20 : memref<100xi32, #tpu.memory_space<vmem>>) semaphore(%arg10 : memref<!tpu.dma_semaphore, #tpu.memory_space<semaphore_mem>>)
    %scan3A = arith.constant 0 : i32
    %scan3A_24 = arith.constant 0 : i32
    %scan3A_25 = arith.constant 64 : i32
    %scan3A_26 = arith.addi %scan3A_24, %scan3A_25 : i32
    %scan3A_27 = arith.constant 1 : i32
    scf.for %scan3A_31 = %scan3A_24 to %scan3A_26 step %scan3A_27  : i32 {
      %mul3A_32 = arith.constant 2 : i32
      %mul3A_33 = arith.muli %mul3A_32, %scan3A_31 : i32
      %add3A_34 = arith.constant 1 : i32
      %add3A_35 = arith.addi %mul3A_33, %add3A_34 : i32
      %mul3A_36 = arith.constant 2 : i32
      %mul3A_37 = arith.muli %mul3A_36, %add3A_35 : i32
      %dma_start3A_38 = arith.constant 0 : i32
      %dma_start3A_39 = arith.constant 0 : i32
      %dma_start3A_40 = tpu.memref_slice %arg7[%dma_start3A_38, %dma_start3A_39] : memref<200x64xi32, #tpu.memory_space<vmem>> -> memref<100x64xi32, #tpu.memory_space<vmem>>
      %dma_start3A_41 = arith.constant 0 : i32
      %dma_start3A_42 = tpu.memref_slice %arg5[%mul3A_37, %dma_start3A_41] : memref<256x100xi32, #tpu.memory_space<vmem>> -> memref<1x100xi32, #tpu.memory_space<vmem>>
      %dma_start3A_43 = tpu.memref_squeeze %dma_start3A_42 : memref<1x100xi32, #tpu.memory_space<vmem>> -> memref<100xi32, #tpu.memory_space<vmem>>
      %dma_start3A_44 = arith.constant 0 : i32
      %dma_start3A_45 = arith.constant 0 : i32
      %dma_start3A_46 = tpu.memref_slice %arg9[%dma_start3A_44, %dma_start3A_45] : memref<10000x64xi32, #tpu.memory_space<vmem_shared>> -> memref<10000x64xi32, #tpu.memory_space<vmem_shared>>
      tpu.enqueue_indirect_dma source(%dma_start3A_46 : memref<10000x64xi32, #tpu.memory_space<vmem_shared>>) target(%dma_start3A_40 : memref<100x64xi32, #tpu.memory_space<vmem>>) offsets(%dma_start3A_43 : memref<100xi32, #tpu.memory_space<vmem>>) semaphore(%arg11 : memref<!tpu.dma_semaphore, #tpu.memory_space<semaphore_mem>>)
      %mul3A_47 = arith.constant 2 : i32
      %mul3A_48 = arith.muli %mul3A_47, %add3A_35 : i32
      %add3A_49 = arith.constant 1 : i32
      %add3A_50 = arith.addi %mul3A_48, %add3A_49 : i32
      %dma_start3A_51 = arith.constant 100 : i32
      %dma_start3A_52 = arith.constant 0 : i32
      %dma_start3A_53 = tpu.memref_slice %arg7[%dma_start3A_51, %dma_start3A_52] : memref<200x64xi32, #tpu.memory_space<vmem>> -> memref<100x64xi32, #tpu.memory_space<vmem>>
      %dma_start3A_54 = arith.constant 0 : i32
      %dma_start3A_55 = tpu.memref_slice %arg5[%add3A_50, %dma_start3A_54] : memref<256x100xi32, #tpu.memory_space<vmem>> -> memref<1x100xi32, #tpu.memory_space<vmem>>
      %dma_start3A_56 = tpu.memref_squeeze %dma_start3A_55 : memref<1x100xi32, #tpu.memory_space<vmem>> -> memref<100xi32, #tpu.memory_space<vmem>>
      %dma_start3A_57 = arith.constant 0 : i32
      %dma_start3A_58 = arith.constant 0 : i32
      %dma_start3A_59 = tpu.memref_slice %arg9[%dma_start3A_57, %dma_start3A_58] : memref<10000x64xi32, #tpu.memory_space<vmem_shared>> -> memref<10000x64xi32, #tpu.memory_space<vmem_shared>>
      tpu.enqueue_indirect_dma source(%dma_start3A_59 : memref<10000x64xi32, #tpu.memory_space<vmem_shared>>) target(%dma_start3A_53 : memref<100x64xi32, #tpu.memory_space<vmem>>) offsets(%dma_start3A_56 : memref<100xi32, #tpu.memory_space<vmem>>) semaphore(%arg11 : memref<!tpu.dma_semaphore, #tpu.memory_space<semaphore_mem>>)
      %dma_wait3A = arith.constant 0 : i32
      %dma_wait3A_60 = arith.constant 0 : i32
      %dma_wait3A_61 = arith.constant 0 : i32
      %dma_wait3A_62 = tpu.memref_slice %arg6[%dma_wait3A_60, %dma_wait3A_61] : memref<200x64xi32, #tpu.memory_space<vmem>> -> memref<100x64xi32, #tpu.memory_space<vmem>>
      %dma_wait3A_63 = arith.constant 0 : i32
      %dma_wait3A_64 = tpu.memref_slice %arg5[%dma_wait3A, %dma_wait3A_63] : memref<256x100xi32, #tpu.memory_space<vmem>> -> memref<1x100xi32, #tpu.memory_space<vmem>>
      %dma_wait3A_65 = tpu.memref_squeeze %dma_wait3A_64 : memref<1x100xi32, #tpu.memory_space<vmem>> -> memref<100xi32, #tpu.memory_space<vmem>>
      %dma_wait3A_66 = arith.constant 0 : i32
      %dma_wait3A_67 = arith.constant 0 : i32
      %dma_wait3A_68 = tpu.memref_slice %arg9[%dma_wait3A_66, %dma_wait3A_67] : memref<10000x64xi32, #tpu.memory_space<vmem_shared>> -> memref<10000x64xi32, #tpu.memory_space<vmem_shared>>
      tpu.wait_indirect_dma semaphore(%arg10 : memref<!tpu.dma_semaphore, #tpu.memory_space<semaphore_mem>>) src(%dma_wait3A_68 : memref<10000x64xi32, #tpu.memory_space<vmem_shared>>) dst(%dma_wait3A_62 : memref<100x64xi32, #tpu.memory_space<vmem>>)
      %dma_wait3A_69 = arith.constant 0 : i32
      %dma_wait3A_70 = arith.constant 100 : i32
      %dma_wait3A_71 = arith.constant 0 : i32
      %dma_wait3A_72 = tpu.memref_slice %arg6[%dma_wait3A_70, %dma_wait3A_71] : memref<200x64xi32, #tpu.memory_space<vmem>> -> memref<100x64xi32, #tpu.memory_space<vmem>>
      %dma_wait3A_73 = arith.constant 0 : i32
      %dma_wait3A_74 = tpu.memref_slice %arg5[%dma_wait3A_69, %dma_wait3A_73] : memref<256x100xi32, #tpu.memory_space<vmem>> -> memref<1x100xi32, #tpu.memory_space<vmem>>
      %dma_wait3A_75 = tpu.memref_squeeze %dma_wait3A_74 : memref<1x100xi32, #tpu.memory_space<vmem>> -> memref<100xi32, #tpu.memory_space<vmem>>
      %dma_wait3A_76 = arith.constant 0 : i32
      %dma_wait3A_77 = arith.constant 0 : i32
      %dma_wait3A_78 = tpu.memref_slice %arg9[%dma_wait3A_76, %dma_wait3A_77] : memref<10000x64xi32, #tpu.memory_space<vmem_shared>> -> memref<10000x64xi32, #tpu.memory_space<vmem_shared>>
      tpu.wait_indirect_dma semaphore(%arg10 : memref<!tpu.dma_semaphore, #tpu.memory_space<semaphore_mem>>) src(%dma_wait3A_78 : memref<10000x64xi32, #tpu.memory_space<vmem_shared>>) dst(%dma_wait3A_72 : memref<100x64xi32, #tpu.memory_space<vmem>>)
      %broadcast_in_dim3A = arith.constant 0.000000e+00 : f32
      %broadcast_in_dim3A_79 = vector.broadcast %broadcast_in_dim3A : f32 to vector<16xf32>
      %broadcast_in_dim3A_80 = arith.constant 0.000000e+00 : f32
      %broadcast_in_dim3A_81 = vector.broadcast %broadcast_in_dim3A_80 : f32 to vector<16xf32>
      %broadcast_in_dim3A_82 = arith.constant 0.000000e+00 : f32
      %broadcast_in_dim3A_83 = vector.broadcast %broadcast_in_dim3A_82 : f32 to vector<16xf32>
      %broadcast_in_dim3A_84 = arith.constant 0.000000e+00 : f32
      %broadcast_in_dim3A_85 = vector.broadcast %broadcast_in_dim3A_84 : f32 to vector<16xf32>
      %broadcast_in_dim3A_86 = arith.constant 0.000000e+00 : f32
      %broadcast_in_dim3A_87 = vector.broadcast %broadcast_in_dim3A_86 : f32 to vector<16xf32>
      %broadcast_in_dim3A_88 = arith.constant 0.000000e+00 : f32
      %broadcast_in_dim3A_89 = vector.broadcast %broadcast_in_dim3A_88 : f32 to vector<16xf32>
      %broadcast_in_dim3A_90 = arith.constant 0.000000e+00 : f32
      %broadcast_in_dim3A_91 = vector.broadcast %broadcast_in_dim3A_90 : f32 to vector<16xf32>
      %broadcast_in_dim3A_92 = arith.constant 0.000000e+00 : f32
      %broadcast_in_dim3A_93 = vector.broadcast %broadcast_in_dim3A_92 : f32 to vector<16xf32>
      %scan3A_94 = arith.constant 0 : i32
      %scan3A_95 = arith.constant 200 : i32
      %scan3A_96 = arith.addi %scan3A_94, %scan3A_95 : i32
      %scan3A_97 = arith.constant 2 : i32
      %scan3A_98:8 = scf.for %scan3A_275 = %scan3A_94 to %scan3A_96 step %scan3A_97 iter_args(%scan3A_276 = %broadcast_in_dim3A_79, %scan3A_277 = %broadcast_in_dim3A_81, %scan3A_278 = %broadcast_in_dim3A_83, %scan3A_279 = %broadcast_in_dim3A_85, %scan3A_280 = %broadcast_in_dim3A_87, %scan3A_281 = %broadcast_in_dim3A_89, %scan3A_282 = %broadcast_in_dim3A_91, %scan3A_283 = %broadcast_in_dim3A_93) -> (vector<16xf32>, vector<16xf32>, vector<16xf32>, vector<16xf32>, vector<16xf32>, vector<16xf32>, vector<16xf32>, vector<16xf32>)  : i32 {
        %get3A = arith.index_cast %scan3A_275 : i32 to index
        %get3A_284 = arith.constant 0 : index
        %get3A_285 = tpu.vector_load %arg6[%get3A, %get3A_284] {strides = array<i32>} : memref<200x64xi32, #tpu.memory_space<vmem>>, vector<1x16xi32>,
        %get3A_286 = vector.shape_cast %get3A_285 : vector<1x16xi32> to vector<16xi32>
        %shift_left3A = arith.constant 16 : i32
        %shift_left3A_287 = vector.broadcast %shift_left3A : i32 to vector<16xi32>
        %shift_left3A_288 = arith.shli %get3A_286, %shift_left3A_287 : vector<16xi32>
        %bitcast_convert_type3A = tpu.bitcast %shift_left3A_288 : vector<16xi32> -> vector<16xf32>
        %bitcast_convert_type3A_289 = tpu.bitcast %get3A_286 : vector<16xi32> -> vector<16xf32>
        %add3A_290 = arith.addf %scan3A_276, %bitcast_convert_type3A : vector<16xf32>
        %add3A_291 = arith.addf %scan3A_277, %bitcast_convert_type3A_289 : vector<16xf32>
        %get3A_292 = arith.index_cast %scan3A_275 : i32 to index
        %get3A_293 = arith.constant 16 : index
        %get3A_294 = tpu.vector_load %arg6[%get3A_292, %get3A_293] {strides = array<i32>} : memref<200x64xi32, #tpu.memory_space<vmem>>, vector<1x16xi32>,
        %get3A_295 = vector.shape_cast %get3A_294 : vector<1x16xi32> to vector<16xi32>
        %shift_left3A_296 = arith.constant 16 : i32
        %shift_left3A_297 = vector.broadcast %shift_left3A_296 : i32 to vector<16xi32>
        %shift_left3A_298 = arith.shli %get3A_295, %shift_left3A_297 : vector<16xi32>
        %bitcast_convert_type3A_299 = tpu.bitcast %shift_left3A_298 : vector<16xi32> -> vector<16xf32>
        %bitcast_convert_type3A_300 = tpu.bitcast %get3A_295 : vector<16xi32> -> vector<16xf32>
        %add3A_301 = arith.addf %scan3A_278, %bitcast_convert_type3A_299 : vector<16xf32>
        %add3A_302 = arith.addf %scan3A_279, %bitcast_convert_type3A_300 : vector<16xf32>
        %get3A_303 = arith.index_cast %scan3A_275 : i32 to index
        %get3A_304 = arith.constant 32 : index
        %get3A_305 = tpu.vector_load %arg6[%get3A_303, %get3A_304] {strides = array<i32>} : memref<200x64xi32, #tpu.memory_space<vmem>>, vector<1x16xi32>,
        %get3A_306 = vector.shape_cast %get3A_305 : vector<1x16xi32> to vector<16xi32>
        %shift_left3A_307 = arith.constant 16 : i32
        %shift_left3A_308 = vector.broadcast %shift_left3A_307 : i32 to vector<16xi32>
        %shift_left3A_309 = arith.shli %get3A_306, %shift_left3A_308 : vector<16xi32>
        %bitcast_convert_type3A_310 = tpu.bitcast %shift_left3A_309 : vector<16xi32> -> vector<16xf32>
        %bitcast_convert_type3A_311 = tpu.bitcast %get3A_306 : vector<16xi32> -> vector<16xf32>
        %add3A_312 = arith.addf %scan3A_280, %bitcast_convert_type3A_310 : vector<16xf32>
        %add3A_313 = arith.addf %scan3A_281, %bitcast_convert_type3A_311 : vector<16xf32>
        %get3A_314 = arith.index_cast %scan3A_275 : i32 to index
        %get3A_315 = arith.constant 48 : index
        %get3A_316 = tpu.vector_load %arg6[%get3A_314, %get3A_315] {strides = array<i32>} : memref<200x64xi32, #tpu.memory_space<vmem>>, vector<1x16xi32>,
        %get3A_317 = vector.shape_cast %get3A_316 : vector<1x16xi32> to vector<16xi32>
        %shift_left3A_318 = arith.constant 16 : i32
        %shift_left3A_319 = vector.broadcast %shift_left3A_318 : i32 to vector<16xi32>
        %shift_left3A_320 = arith.shli %get3A_317, %shift_left3A_319 : vector<16xi32>
        %bitcast_convert_type3A_321 = tpu.bitcast %shift_left3A_320 : vector<16xi32> -> vector<16xf32>
        %bitcast_convert_type3A_322 = tpu.bitcast %get3A_317 : vector<16xi32> -> vector<16xf32>
        %add3A_323 = arith.addf %scan3A_282, %bitcast_convert_type3A_321 : vector<16xf32>
        %add3A_324 = arith.addf %scan3A_283, %bitcast_convert_type3A_322 : vector<16xf32>
        %scan3A_325 = arith.constant 1 : i32
        %scan3A_326 = arith.addi %scan3A_275, %scan3A_325 : i32
        %get3A_327 = arith.index_cast %scan3A_326 : i32 to index
        %get3A_328 = arith.constant 0 : index
        %get3A_329 = tpu.vector_load %arg6[%get3A_327, %get3A_328] {strides = array<i32>} : memref<200x64xi32, #tpu.memory_space<vmem>>, vector<1x16xi32>,
        %get3A_330 = vector.shape_cast %get3A_329 : vector<1x16xi32> to vector<16xi32>
        %shift_left3A_331 = arith.constant 16 : i32
        %shift_left3A_332 = vector.broadcast %shift_left3A_331 : i32 to vector<16xi32>
        %shift_left3A_333 = arith.shli %get3A_330, %shift_left3A_332 : vector<16xi32>
        %bitcast_convert_type3A_334 = tpu.bitcast %shift_left3A_333 : vector<16xi32> -> vector<16xf32>
        %bitcast_convert_type3A_335 = tpu.bitcast %get3A_330 : vector<16xi32> -> vector<16xf32>
        %add3A_336 = arith.addf %add3A_290, %bitcast_convert_type3A_334 : vector<16xf32>
        %add3A_337 = arith.addf %add3A_291, %bitcast_convert_type3A_335 : vector<16xf32>
        %get3A_338 = arith.index_cast %scan3A_326 : i32 to index
        %get3A_339 = arith.constant 16 : index
        %get3A_340 = tpu.vector_load %arg6[%get3A_338, %get3A_339] {strides = array<i32>} : memref<200x64xi32, #tpu.memory_space<vmem>>, vector<1x16xi32>,
        %get3A_341 = vector.shape_cast %get3A_340 : vector<1x16xi32> to vector<16xi32>
        %shift_left3A_342 = arith.constant 16 : i32
        %shift_left3A_343 = vector.broadcast %shift_left3A_342 : i32 to vector<16xi32>
        %shift_left3A_344 = arith.shli %get3A_341, %shift_left3A_343 : vector<16xi32>
        %bitcast_convert_type3A_345 = tpu.bitcast %shift_left3A_344 : vector<16xi32> -> vector<16xf32>
        %bitcast_convert_type3A_346 = tpu.bitcast %get3A_341 : vector<16xi32> -> vector<16xf32>
        %add3A_347 = arith.addf %add3A_301, %bitcast_convert_type3A_345 : vector<16xf32>
        %add3A_348 = arith.addf %add3A_302, %bitcast_convert_type3A_346 : vector<16xf32>
        %get3A_349 = arith.index_cast %scan3A_326 : i32 to index
        %get3A_350 = arith.constant 32 : index
        %get3A_351 = tpu.vector_load %arg6[%get3A_349, %get3A_350] {strides = array<i32>} : memref<200x64xi32, #tpu.memory_space<vmem>>, vector<1x16xi32>,
        %get3A_352 = vector.shape_cast %get3A_351 : vector<1x16xi32> to vector<16xi32>
        %shift_left3A_353 = arith.constant 16 : i32
        %shift_left3A_354 = vector.broadcast %shift_left3A_353 : i32 to vector<16xi32>
        %shift_left3A_355 = arith.shli %get3A_352, %shift_left3A_354 : vector<16xi32>
        %bitcast_convert_type3A_356 = tpu.bitcast %shift_left3A_355 : vector<16xi32> -> vector<16xf32>
        %bitcast_convert_type3A_357 = tpu.bitcast %get3A_352 : vector<16xi32> -> vector<16xf32>
        %add3A_358 = arith.addf %add3A_312, %bitcast_convert_type3A_356 : vector<16xf32>
        %add3A_359 = arith.addf %add3A_313, %bitcast_convert_type3A_357 : vector<16xf32>
        %get3A_360 = arith.index_cast %scan3A_326 : i32 to index
        %get3A_361 = arith.constant 48 : index
        %get3A_362 = tpu.vector_load %arg6[%get3A_360, %get3A_361] {strides = array<i32>} : memref<200x64xi32, #tpu.memory_space<vmem>>, vector<1x16xi32>,
        %get3A_363 = vector.shape_cast %get3A_362 : vector<1x16xi32> to vector<16xi32>
        %shift_left3A_364 = arith.constant 16 : i32
        %shift_left3A_365 = vector.broadcast %shift_left3A_364 : i32 to vector<16xi32>
        %shift_left3A_366 = arith.shli %get3A_363, %shift_left3A_365 : vector<16xi32>
        %bitcast_convert_type3A_367 = tpu.bitcast %shift_left3A_366 : vector<16xi32> -> vector<16xf32>
        %bitcast_convert_type3A_368 = tpu.bitcast %get3A_363 : vector<16xi32> -> vector<16xf32>
        %add3A_369 = arith.addf %add3A_323, %bitcast_convert_type3A_367 : vector<16xf32>
        %add3A_370 = arith.addf %add3A_324, %bitcast_convert_type3A_368 : vector<16xf32>
        scf.yield %add3A_336, %add3A_337, %add3A_347, %add3A_348, %add3A_358, %add3A_359, %add3A_369, %add3A_370 : vector<16xf32>, vector<16xf32>, vector<16xf32>, vector<16xf32>, vector<16xf32>, vector<16xf32>, vector<16xf32>, vector<16xf32>
      }
      %scan3A_99 = arith.constant 200 : i32
      %mul3A_100 = arith.constant 5.000000e-03 : f32
      %mul3A_101 = vector.broadcast %mul3A_100 : f32 to vector<16xf32>
      %mul3A_102 = arith.mulf %scan3A_98#0, %mul3A_101 : vector<16xf32>
      %swap3A = arith.index_cast %mul3A_33 : i32 to index
      %swap3A_103 = arith.constant 0 : index
      %swap3A_104 = tpu.vector_load %arg8[%swap3A, %swap3A_103] {strides = array<i32>} : memref<128x128xf32, #tpu.memory_space<vmem>>, vector<1x16xf32>,
      %swap3A_105 = vector.shape_cast %swap3A_104 : vector<1x16xf32> to vector<16xf32>
      %swap3A_106 = vector.shape_cast %mul3A_102 : vector<16xf32> to vector<1x16xf32>
      tpu.vector_store %arg8[%swap3A, %swap3A_103], %swap3A_106 {strides = array<i32>} : memref<128x128xf32, #tpu.memory_space<vmem>>, vector<1x16xf32>,
      %mul3A_107 = arith.constant 5.000000e-03 : f32
      %mul3A_108 = vector.broadcast %mul3A_107 : f32 to vector<16xf32>
      %mul3A_109 = arith.mulf %scan3A_98#1, %mul3A_108 : vector<16xf32>
      %swap3A_110 = arith.index_cast %mul3A_33 : i32 to index
      %swap3A_111 = arith.constant 64 : index
      %swap3A_112 = tpu.vector_load %arg8[%swap3A_110, %swap3A_111] {strides = array<i32>} : memref<128x128xf32, #tpu.memory_space<vmem>>, vector<1x16xf32>,
      %swap3A_113 = vector.shape_cast %swap3A_112 : vector<1x16xf32> to vector<16xf32>
      %swap3A_114 = vector.shape_cast %mul3A_109 : vector<16xf32> to vector<1x16xf32>
      tpu.vector_store %arg8[%swap3A_110, %swap3A_111], %swap3A_114 {strides = array<i32>} : memref<128x128xf32, #tpu.memory_space<vmem>>, vector<1x16xf32>,
      %mul3A_115 = arith.constant 5.000000e-03 : f32
      %mul3A_116 = vector.broadcast %mul3A_115 : f32 to vector<16xf32>
      %mul3A_117 = arith.mulf %scan3A_98#2, %mul3A_116 : vector<16xf32>
      %swap3A_118 = arith.index_cast %mul3A_33 : i32 to index
      %swap3A_119 = arith.constant 16 : index
      %swap3A_120 = tpu.vector_load %arg8[%swap3A_118, %swap3A_119] {strides = array<i32>} : memref<128x128xf32, #tpu.memory_space<vmem>>, vector<1x16xf32>,
      %swap3A_121 = vector.shape_cast %swap3A_120 : vector<1x16xf32> to vector<16xf32>
      %swap3A_122 = vector.shape_cast %mul3A_117 : vector<16xf32> to vector<1x16xf32>
      tpu.vector_store %arg8[%swap3A_118, %swap3A_119], %swap3A_122 {strides = array<i32>} : memref<128x128xf32, #tpu.memory_space<vmem>>, vector<1x16xf32>,
      %mul3A_123 = arith.constant 5.000000e-03 : f32
      %mul3A_124 = vector.broadcast %mul3A_123 : f32 to vector<16xf32>
      %mul3A_125 = arith.mulf %scan3A_98#3, %mul3A_124 : vector<16xf32>
      %swap3A_126 = arith.index_cast %mul3A_33 : i32 to index
      %swap3A_127 = arith.constant 80 : index
      %swap3A_128 = tpu.vector_load %arg8[%swap3A_126, %swap3A_127] {strides = array<i32>} : memref<128x128xf32, #tpu.memory_space<vmem>>, vector<1x16xf32>,
      %swap3A_129 = vector.shape_cast %swap3A_128 : vector<1x16xf32> to vector<16xf32>
      %swap3A_130 = vector.shape_cast %mul3A_125 : vector<16xf32> to vector<1x16xf32>
      tpu.vector_store %arg8[%swap3A_126, %swap3A_127], %swap3A_130 {strides = array<i32>} : memref<128x128xf32, #tpu.memory_space<vmem>>, vector<1x16xf32>,
      %mul3A_131 = arith.constant 5.000000e-03 : f32
      %mul3A_132 = vector.broadcast %mul3A_131 : f32 to vector<16xf32>
      %mul3A_133 = arith.mulf %scan3A_98#4, %mul3A_132 : vector<16xf32>
      %swap3A_134 = arith.index_cast %mul3A_33 : i32 to index
      %swap3A_135 = arith.constant 32 : index
      %swap3A_136 = tpu.vector_load %arg8[%swap3A_134, %swap3A_135] {strides = array<i32>} : memref<128x128xf32, #tpu.memory_space<vmem>>, vector<1x16xf32>,
      %swap3A_137 = vector.shape_cast %swap3A_136 : vector<1x16xf32> to vector<16xf32>
      %swap3A_138 = vector.shape_cast %mul3A_133 : vector<16xf32> to vector<1x16xf32>
      tpu.vector_store %arg8[%swap3A_134, %swap3A_135], %swap3A_138 {strides = array<i32>} : memref<128x128xf32, #tpu.memory_space<vmem>>, vector<1x16xf32>,
      %mul3A_139 = arith.constant 5.000000e-03 : f32
      %mul3A_140 = vector.broadcast %mul3A_139 : f32 to vector<16xf32>
      %mul3A_141 = arith.mulf %scan3A_98#5, %mul3A_140 : vector<16xf32>
      %swap3A_142 = arith.index_cast %mul3A_33 : i32 to index
      %swap3A_143 = arith.constant 96 : index
      %swap3A_144 = tpu.vector_load %arg8[%swap3A_142, %swap3A_143] {strides = array<i32>} : memref<128x128xf32, #tpu.memory_space<vmem>>, vector<1x16xf32>,
      %swap3A_145 = vector.shape_cast %swap3A_144 : vector<1x16xf32> to vector<16xf32>
      %swap3A_146 = vector.shape_cast %mul3A_141 : vector<16xf32> to vector<1x16xf32>
      tpu.vector_store %arg8[%swap3A_142, %swap3A_143], %swap3A_146 {strides = array<i32>} : memref<128x128xf32, #tpu.memory_space<vmem>>, vector<1x16xf32>,
      %mul3A_147 = arith.constant 5.000000e-03 : f32
      %mul3A_148 = vector.broadcast %mul3A_147 : f32 to vector<16xf32>
      %mul3A_149 = arith.mulf %scan3A_98#6, %mul3A_148 : vector<16xf32>
      %swap3A_150 = arith.index_cast %mul3A_33 : i32 to index
      %swap3A_151 = arith.constant 48 : index
      %swap3A_152 = tpu.vector_load %arg8[%swap3A_150, %swap3A_151] {strides = array<i32>} : memref<128x128xf32, #tpu.memory_space<vmem>>, vector<1x16xf32>,
      %swap3A_153 = vector.shape_cast %swap3A_152 : vector<1x16xf32> to vector<16xf32>
      %swap3A_154 = vector.shape_cast %mul3A_149 : vector<16xf32> to vector<1x16xf32>
      tpu.vector_store %arg8[%swap3A_150, %swap3A_151], %swap3A_154 {strides = array<i32>} : memref<128x128xf32, #tpu.memory_space<vmem>>, vector<1x16xf32>,
      %mul3A_155 = arith.constant 5.000000e-03 : f32
      %mul3A_156 = vector.broadcast %mul3A_155 : f32 to vector<16xf32>
      %mul3A_157 = arith.mulf %scan3A_98#7, %mul3A_156 : vector<16xf32>
      %swap3A_158 = arith.index_cast %mul3A_33 : i32 to index
      %swap3A_159 = arith.constant 112 : index
      %swap3A_160 = tpu.vector_load %arg8[%swap3A_158, %swap3A_159] {strides = array<i32>} : memref<128x128xf32, #tpu.memory_space<vmem>>, vector<1x16xf32>,
      %swap3A_161 = vector.shape_cast %swap3A_160 : vector<1x16xf32> to vector<16xf32>
      %swap3A_162 = vector.shape_cast %mul3A_157 : vector<16xf32> to vector<1x16xf32>
      tpu.vector_store %arg8[%swap3A_158, %swap3A_159], %swap3A_162 {strides = array<i32>} : memref<128x128xf32, #tpu.memory_space<vmem>>, vector<1x16xf32>,
      %lt3A = arith.constant 63 : i32
      %lt3A_163 = arith.cmpi slt, %scan3A_31, %lt3A : i32
      %convert_element_type3A_164 = arith.extui %lt3A_163 : i1 to i32
      %cond3A_165 = arith.constant 0 : i32
      %cond3A_166 = arith.cmpi ne, %convert_element_type3A_164, %cond3A_165 : i32
      scf.if %cond3A_166 {
        %add3A_275 = arith.constant 2 : i32
        %add3A_276 = arith.addi %mul3A_33, %add3A_275 : i32
        %mul3A_277 = arith.constant 2 : i32
        %mul3A_278 = arith.muli %mul3A_277, %add3A_276 : i32
        %dma_start3A_279 = arith.constant 0 : i32
        %dma_start3A_280 = arith.constant 0 : i32
        %dma_start3A_281 = tpu.memref_slice %arg6[%dma_start3A_279, %dma_start3A_280] : memref<200x64xi32, #tpu.memory_space<vmem>> -> memref<100x64xi32, #tpu.memory_space<vmem>>
        %dma_start3A_282 = arith.constant 0 : i32
        %dma_start3A_283 = tpu.memref_slice %arg5[%mul3A_278, %dma_start3A_282] : memref<256x100xi32, #tpu.memory_space<vmem>> -> memref<1x100xi32, #tpu.memory_space<vmem>>
        %dma_start3A_284 = tpu.memref_squeeze %dma_start3A_283 : memref<1x100xi32, #tpu.memory_space<vmem>> -> memref<100xi32, #tpu.memory_space<vmem>>
        %dma_start3A_285 = arith.constant 0 : i32
        %dma_start3A_286 = arith.constant 0 : i32
        %dma_start3A_287 = tpu.memref_slice %arg9[%dma_start3A_285, %dma_start3A_286] : memref<10000x64xi32, #tpu.memory_space<vmem_shared>> -> memref<10000x64xi32, #tpu.memory_space<vmem_shared>>
        tpu.enqueue_indirect_dma source(%dma_start3A_287 : memref<10000x64xi32, #tpu.memory_space<vmem_shared>>) target(%dma_start3A_281 : memref<100x64xi32, #tpu.memory_space<vmem>>) offsets(%dma_start3A_284 : memref<100xi32, #tpu.memory_space<vmem>>) semaphore(%arg10 : memref<!tpu.dma_semaphore, #tpu.memory_space<semaphore_mem>>)
        %mul3A_288 = arith.constant 2 : i32
        %mul3A_289 = arith.muli %mul3A_288, %add3A_276 : i32
        %add3A_290 = arith.constant 1 : i32
        %add3A_291 = arith.addi %mul3A_289, %add3A_290 : i32
        %dma_start3A_292 = arith.constant 100 : i32
        %dma_start3A_293 = arith.constant 0 : i32
        %dma_start3A_294 = tpu.memref_slice %arg6[%dma_start3A_292, %dma_start3A_293] : memref<200x64xi32, #tpu.memory_space<vmem>> -> memref<100x64xi32, #tpu.memory_space<vmem>>
        %dma_start3A_295 = arith.constant 0 : i32
        %dma_start3A_296 = tpu.memref_slice %arg5[%add3A_291, %dma_start3A_295] : memref<256x100xi32, #tpu.memory_space<vmem>> -> memref<1x100xi32, #tpu.memory_space<vmem>>
        %dma_start3A_297 = tpu.memref_squeeze %dma_start3A_296 : memref<1x100xi32, #tpu.memory_space<vmem>> -> memref<100xi32, #tpu.memory_space<vmem>>
        %dma_start3A_298 = arith.constant 0 : i32
        %dma_start3A_299 = arith.constant 0 : i32
        %dma_start3A_300 = tpu.memref_slice %arg9[%dma_start3A_298, %dma_start3A_299] : memref<10000x64xi32, #tpu.memory_space<vmem_shared>> -> memref<10000x64xi32, #tpu.memory_space<vmem_shared>>
        tpu.enqueue_indirect_dma source(%dma_start3A_300 : memref<10000x64xi32, #tpu.memory_space<vmem_shared>>) target(%dma_start3A_294 : memref<100x64xi32, #tpu.memory_space<vmem>>) offsets(%dma_start3A_297 : memref<100xi32, #tpu.memory_space<vmem>>) semaphore(%arg10 : memref<!tpu.dma_semaphore, #tpu.memory_space<semaphore_mem>>)
      } else {
      }
      %dma_wait3A_167 = arith.constant 0 : i32
      %dma_wait3A_168 = arith.constant 0 : i32
      %dma_wait3A_169 = arith.constant 0 : i32
      %dma_wait3A_170 = tpu.memref_slice %arg7[%dma_wait3A_168, %dma_wait3A_169] : memref<200x64xi32, #tpu.memory_space<vmem>> -> memref<100x64xi32, #tpu.memory_space<vmem>>
      %dma_wait3A_171 = arith.constant 0 : i32
      %dma_wait3A_172 = tpu.memref_slice %arg5[%dma_wait3A_167, %dma_wait3A_171] : memref<256x100xi32, #tpu.memory_space<vmem>> -> memref<1x100xi32, #tpu.memory_space<vmem>>
      %dma_wait3A_173 = tpu.memref_squeeze %dma_wait3A_172 : memref<1x100xi32, #tpu.memory_space<vmem>> -> memref<100xi32, #tpu.memory_space<vmem>>
      %dma_wait3A_174 = arith.constant 0 : i32
      %dma_wait3A_175 = arith.constant 0 : i32
      %dma_wait3A_176 = tpu.memref_slice %arg9[%dma_wait3A_174, %dma_wait3A_175] : memref<10000x64xi32, #tpu.memory_space<vmem_shared>> -> memref<10000x64xi32, #tpu.memory_space<vmem_shared>>
      tpu.wait_indirect_dma semaphore(%arg11 : memref<!tpu.dma_semaphore, #tpu.memory_space<semaphore_mem>>) src(%dma_wait3A_176 : memref<10000x64xi32, #tpu.memory_space<vmem_shared>>) dst(%dma_wait3A_170 : memref<100x64xi32, #tpu.memory_space<vmem>>)
      %dma_wait3A_177 = arith.constant 0 : i32
      %dma_wait3A_178 = arith.constant 100 : i32
      %dma_wait3A_179 = arith.constant 0 : i32
      %dma_wait3A_180 = tpu.memref_slice %arg7[%dma_wait3A_178, %dma_wait3A_179] : memref<200x64xi32, #tpu.memory_space<vmem>> -> memref<100x64xi32, #tpu.memory_space<vmem>>
      %dma_wait3A_181 = arith.constant 0 : i32
      %dma_wait3A_182 = tpu.memref_slice %arg5[%dma_wait3A_177, %dma_wait3A_181] : memref<256x100xi32, #tpu.memory_space<vmem>> -> memref<1x100xi32, #tpu.memory_space<vmem>>
      %dma_wait3A_183 = tpu.memref_squeeze %dma_wait3A_182 : memref<1x100xi32, #tpu.memory_space<vmem>> -> memref<100xi32, #tpu.memory_space<vmem>>
      %dma_wait3A_184 = arith.constant 0 : i32
      %dma_wait3A_185 = arith.constant 0 : i32
      %dma_wait3A_186 = tpu.memref_slice %arg9[%dma_wait3A_184, %dma_wait3A_185] : memref<10000x64xi32, #tpu.memory_space<vmem_shared>> -> memref<10000x64xi32, #tpu.memory_space<vmem_shared>>
      tpu.wait_indirect_dma semaphore(%arg11 : memref<!tpu.dma_semaphore, #tpu.memory_space<semaphore_mem>>) src(%dma_wait3A_186 : memref<10000x64xi32, #tpu.memory_space<vmem_shared>>) dst(%dma_wait3A_180 : memref<100x64xi32, #tpu.memory_space<vmem>>)
      %add3A_187 = arith.constant 1 : i32
      %add3A_188 = arith.addi %mul3A_33, %add3A_187 : i32
      %broadcast_in_dim3A_189 = arith.constant 0.000000e+00 : f32
      %broadcast_in_dim3A_190 = vector.broadcast %broadcast_in_dim3A_189 : f32 to vector<16xf32>
      %broadcast_in_dim3A_191 = arith.constant 0.000000e+00 : f32
      %broadcast_in_dim3A_192 = vector.broadcast %broadcast_in_dim3A_191 : f32 to vector<16xf32>
      %broadcast_in_dim3A_193 = arith.constant 0.000000e+00 : f32
      %broadcast_in_dim3A_194 = vector.broadcast %broadcast_in_dim3A_193 : f32 to vector<16xf32>
      %broadcast_in_dim3A_195 = arith.constant 0.000000e+00 : f32
      %broadcast_in_dim3A_196 = vector.broadcast %broadcast_in_dim3A_195 : f32 to vector<16xf32>
      %broadcast_in_dim3A_197 = arith.constant 0.000000e+00 : f32
      %broadcast_in_dim3A_198 = vector.broadcast %broadcast_in_dim3A_197 : f32 to vector<16xf32>
      %broadcast_in_dim3A_199 = arith.constant 0.000000e+00 : f32
      %broadcast_in_dim3A_200 = vector.broadcast %broadcast_in_dim3A_199 : f32 to vector<16xf32>
      %broadcast_in_dim3A_201 = arith.constant 0.000000e+00 : f32
      %broadcast_in_dim3A_202 = vector.broadcast %broadcast_in_dim3A_201 : f32 to vector<16xf32>
      %broadcast_in_dim3A_203 = arith.constant 0.000000e+00 : f32
      %broadcast_in_dim3A_204 = vector.broadcast %broadcast_in_dim3A_203 : f32 to vector<16xf32>
      %scan3A_205 = arith.constant 0 : i32
      %scan3A_206 = arith.constant 200 : i32
      %scan3A_207 = arith.addi %scan3A_205, %scan3A_206 : i32
      %scan3A_208 = arith.constant 2 : i32
      %scan3A_209:8 = scf.for %scan3A_275 = %scan3A_205 to %scan3A_207 step %scan3A_208 iter_args(%scan3A_276 = %broadcast_in_dim3A_190, %scan3A_277 = %broadcast_in_dim3A_192, %scan3A_278 = %broadcast_in_dim3A_194, %scan3A_279 = %broadcast_in_dim3A_196, %scan3A_280 = %broadcast_in_dim3A_198, %scan3A_281 = %broadcast_in_dim3A_200, %scan3A_282 = %broadcast_in_dim3A_202, %scan3A_283 = %broadcast_in_dim3A_204) -> (vector<16xf32>, vector<16xf32>, vector<16xf32>, vector<16xf32>, vector<16xf32>, vector<16xf32>, vector<16xf32>, vector<16xf32>)  : i32 {
        %get3A = arith.index_cast %scan3A_275 : i32 to index
        %get3A_284 = arith.constant 0 : index
        %get3A_285 = tpu.vector_load %arg7[%get3A, %get3A_284] {strides = array<i32>} : memref<200x64xi32, #tpu.memory_space<vmem>>, vector<1x16xi32>,
        %get3A_286 = vector.shape_cast %get3A_285 : vector<1x16xi32> to vector<16xi32>
        %shift_left3A = arith.constant 16 : i32
        %shift_left3A_287 = vector.broadcast %shift_left3A : i32 to vector<16xi32>
        %shift_left3A_288 = arith.shli %get3A_286, %shift_left3A_287 : vector<16xi32>
        %bitcast_convert_type3A = tpu.bitcast %shift_left3A_288 : vector<16xi32> -> vector<16xf32>
        %bitcast_convert_type3A_289 = tpu.bitcast %get3A_286 : vector<16xi32> -> vector<16xf32>
        %add3A_290 = arith.addf %scan3A_276, %bitcast_convert_type3A : vector<16xf32>
        %add3A_291 = arith.addf %scan3A_277, %bitcast_convert_type3A_289 : vector<16xf32>
        %get3A_292 = arith.index_cast %scan3A_275 : i32 to index
        %get3A_293 = arith.constant 16 : index
        %get3A_294 = tpu.vector_load %arg7[%get3A_292, %get3A_293] {strides = array<i32>} : memref<200x64xi32, #tpu.memory_space<vmem>>, vector<1x16xi32>,
        %get3A_295 = vector.shape_cast %get3A_294 : vector<1x16xi32> to vector<16xi32>
        %shift_left3A_296 = arith.constant 16 : i32
        %shift_left3A_297 = vector.broadcast %shift_left3A_296 : i32 to vector<16xi32>
        %shift_left3A_298 = arith.shli %get3A_295, %shift_left3A_297 : vector<16xi32>
        %bitcast_convert_type3A_299 = tpu.bitcast %shift_left3A_298 : vector<16xi32> -> vector<16xf32>
        %bitcast_convert_type3A_300 = tpu.bitcast %get3A_295 : vector<16xi32> -> vector<16xf32>
        %add3A_301 = arith.addf %scan3A_278, %bitcast_convert_type3A_299 : vector<16xf32>
        %add3A_302 = arith.addf %scan3A_279, %bitcast_convert_type3A_300 : vector<16xf32>
        %get3A_303 = arith.index_cast %scan3A_275 : i32 to index
        %get3A_304 = arith.constant 32 : index
        %get3A_305 = tpu.vector_load %arg7[%get3A_303, %get3A_304] {strides = array<i32>} : memref<200x64xi32, #tpu.memory_space<vmem>>, vector<1x16xi32>,
        %get3A_306 = vector.shape_cast %get3A_305 : vector<1x16xi32> to vector<16xi32>
        %shift_left3A_307 = arith.constant 16 : i32
        %shift_left3A_308 = vector.broadcast %shift_left3A_307 : i32 to vector<16xi32>
        %shift_left3A_309 = arith.shli %get3A_306, %shift_left3A_308 : vector<16xi32>
        %bitcast_convert_type3A_310 = tpu.bitcast %shift_left3A_309 : vector<16xi32> -> vector<16xf32>
        %bitcast_convert_type3A_311 = tpu.bitcast %get3A_306 : vector<16xi32> -> vector<16xf32>
        %add3A_312 = arith.addf %scan3A_280, %bitcast_convert_type3A_310 : vector<16xf32>
        %add3A_313 = arith.addf %scan3A_281, %bitcast_convert_type3A_311 : vector<16xf32>
        %get3A_314 = arith.index_cast %scan3A_275 : i32 to index
        %get3A_315 = arith.constant 48 : index
        %get3A_316 = tpu.vector_load %arg7[%get3A_314, %get3A_315] {strides = array<i32>} : memref<200x64xi32, #tpu.memory_space<vmem>>, vector<1x16xi32>,
        %get3A_317 = vector.shape_cast %get3A_316 : vector<1x16xi32> to vector<16xi32>
        %shift_left3A_318 = arith.constant 16 : i32
        %shift_left3A_319 = vector.broadcast %shift_left3A_318 : i32 to vector<16xi32>
        %shift_left3A_320 = arith.shli %get3A_317, %shift_left3A_319 : vector<16xi32>
        %bitcast_convert_type3A_321 = tpu.bitcast %shift_left3A_320 : vector<16xi32> -> vector<16xf32>
        %bitcast_convert_type3A_322 = tpu.bitcast %get3A_317 : vector<16xi32> -> vector<16xf32>
        %add3A_323 = arith.addf %scan3A_282, %bitcast_convert_type3A_321 : vector<16xf32>
        %add3A_324 = arith.addf %scan3A_283, %bitcast_convert_type3A_322 : vector<16xf32>
        %scan3A_325 = arith.constant 1 : i32
        %scan3A_326 = arith.addi %scan3A_275, %scan3A_325 : i32
        %get3A_327 = arith.index_cast %scan3A_326 : i32 to index
        %get3A_328 = arith.constant 0 : index
        %get3A_329 = tpu.vector_load %arg7[%get3A_327, %get3A_328] {strides = array<i32>} : memref<200x64xi32, #tpu.memory_space<vmem>>, vector<1x16xi32>,
        %get3A_330 = vector.shape_cast %get3A_329 : vector<1x16xi32> to vector<16xi32>
        %shift_left3A_331 = arith.constant 16 : i32
        %shift_left3A_332 = vector.broadcast %shift_left3A_331 : i32 to vector<16xi32>
        %shift_left3A_333 = arith.shli %get3A_330, %shift_left3A_332 : vector<16xi32>
        %bitcast_convert_type3A_334 = tpu.bitcast %shift_left3A_333 : vector<16xi32> -> vector<16xf32>
        %bitcast_convert_type3A_335 = tpu.bitcast %get3A_330 : vector<16xi32> -> vector<16xf32>
        %add3A_336 = arith.addf %add3A_290, %bitcast_convert_type3A_334 : vector<16xf32>
        %add3A_337 = arith.addf %add3A_291, %bitcast_convert_type3A_335 : vector<16xf32>
        %get3A_338 = arith.index_cast %scan3A_326 : i32 to index
        %get3A_339 = arith.constant 16 : index
        %get3A_340 = tpu.vector_load %arg7[%get3A_338, %get3A_339] {strides = array<i32>} : memref<200x64xi32, #tpu.memory_space<vmem>>, vector<1x16xi32>,
        %get3A_341 = vector.shape_cast %get3A_340 : vector<1x16xi32> to vector<16xi32>
        %shift_left3A_342 = arith.constant 16 : i32
        %shift_left3A_343 = vector.broadcast %shift_left3A_342 : i32 to vector<16xi32>
        %shift_left3A_344 = arith.shli %get3A_341, %shift_left3A_343 : vector<16xi32>
        %bitcast_convert_type3A_345 = tpu.bitcast %shift_left3A_344 : vector<16xi32> -> vector<16xf32>
        %bitcast_convert_type3A_346 = tpu.bitcast %get3A_341 : vector<16xi32> -> vector<16xf32>
        %add3A_347 = arith.addf %add3A_301, %bitcast_convert_type3A_345 : vector<16xf32>
        %add3A_348 = arith.addf %add3A_302, %bitcast_convert_type3A_346 : vector<16xf32>
        %get3A_349 = arith.index_cast %scan3A_326 : i32 to index
        %get3A_350 = arith.constant 32 : index
        %get3A_351 = tpu.vector_load %arg7[%get3A_349, %get3A_350] {strides = array<i32>} : memref<200x64xi32, #tpu.memory_space<vmem>>, vector<1x16xi32>,
        %get3A_352 = vector.shape_cast %get3A_351 : vector<1x16xi32> to vector<16xi32>
        %shift_left3A_353 = arith.constant 16 : i32
        %shift_left3A_354 = vector.broadcast %shift_left3A_353 : i32 to vector<16xi32>
        %shift_left3A_355 = arith.shli %get3A_352, %shift_left3A_354 : vector<16xi32>
        %bitcast_convert_type3A_356 = tpu.bitcast %shift_left3A_355 : vector<16xi32> -> vector<16xf32>
        %bitcast_convert_type3A_357 = tpu.bitcast %get3A_352 : vector<16xi32> -> vector<16xf32>
        %add3A_358 = arith.addf %add3A_312, %bitcast_convert_type3A_356 : vector<16xf32>
        %add3A_359 = arith.addf %add3A_313, %bitcast_convert_type3A_357 : vector<16xf32>
        %get3A_360 = arith.index_cast %scan3A_326 : i32 to index
        %get3A_361 = arith.constant 48 : index
        %get3A_362 = tpu.vector_load %arg7[%get3A_360, %get3A_361] {strides = array<i32>} : memref<200x64xi32, #tpu.memory_space<vmem>>, vector<1x16xi32>,
        %get3A_363 = vector.shape_cast %get3A_362 : vector<1x16xi32> to vector<16xi32>
        %shift_left3A_364 = arith.constant 16 : i32
        %shift_left3A_365 = vector.broadcast %shift_left3A_364 : i32 to vector<16xi32>
        %shift_left3A_366 = arith.shli %get3A_363, %shift_left3A_365 : vector<16xi32>
        %bitcast_convert_type3A_367 = tpu.bitcast %shift_left3A_366 : vector<16xi32> -> vector<16xf32>
        %bitcast_convert_type3A_368 = tpu.bitcast %get3A_363 : vector<16xi32> -> vector<16xf32>
        %add3A_369 = arith.addf %add3A_323, %bitcast_convert_type3A_367 : vector<16xf32>
        %add3A_370 = arith.addf %add3A_324, %bitcast_convert_type3A_368 : vector<16xf32>
        scf.yield %add3A_336, %add3A_337, %add3A_347, %add3A_348, %add3A_358, %add3A_359, %add3A_369, %add3A_370 : vector<16xf32>, vector<16xf32>, vector<16xf32>, vector<16xf32>, vector<16xf32>, vector<16xf32>, vector<16xf32>, vector<16xf32>
      }
      %scan3A_210 = arith.constant 200 : i32
      %mul3A_211 = arith.constant 5.000000e-03 : f32
      %mul3A_212 = vector.broadcast %mul3A_211 : f32 to vector<16xf32>
      %mul3A_213 = arith.mulf %scan3A_209#0, %mul3A_212 : vector<16xf32>
      %swap3A_214 = arith.index_cast %add3A_188 : i32 to index
      %swap3A_215 = arith.constant 0 : index
      %swap3A_216 = tpu.vector_load %arg8[%swap3A_214, %swap3A_215] {strides = array<i32>} : memref<128x128xf32, #tpu.memory_space<vmem>>, vector<1x16xf32>,
      %swap3A_217 = vector.shape_cast %swap3A_216 : vector<1x16xf32> to vector<16xf32>
      %swap3A_218 = vector.shape_cast %mul3A_213 : vector<16xf32> to vector<1x16xf32>
      tpu.vector_store %arg8[%swap3A_214, %swap3A_215], %swap3A_218 {strides = array<i32>} : memref<128x128xf32, #tpu.memory_space<vmem>>, vector<1x16xf32>,
      %mul3A_219 = arith.constant 5.000000e-03 : f32
      %mul3A_220 = vector.broadcast %mul3A_219 : f32 to vector<16xf32>
      %mul3A_221 = arith.mulf %scan3A_209#1, %mul3A_220 : vector<16xf32>
      %swap3A_222 = arith.index_cast %add3A_188 : i32 to index
      %swap3A_223 = arith.constant 64 : index
      %swap3A_224 = tpu.vector_load %arg8[%swap3A_222, %swap3A_223] {strides = array<i32>} : memref<128x128xf32, #tpu.memory_space<vmem>>, vector<1x16xf32>,
      %swap3A_225 = vector.shape_cast %swap3A_224 : vector<1x16xf32> to vector<16xf32>
      %swap3A_226 = vector.shape_cast %mul3A_221 : vector<16xf32> to vector<1x16xf32>
      tpu.vector_store %arg8[%swap3A_222, %swap3A_223], %swap3A_226 {strides = array<i32>} : memref<128x128xf32, #tpu.memory_space<vmem>>, vector<1x16xf32>,
      %mul3A_227 = arith.constant 5.000000e-03 : f32
      %mul3A_228 = vector.broadcast %mul3A_227 : f32 to vector<16xf32>
      %mul3A_229 = arith.mulf %scan3A_209#2, %mul3A_228 : vector<16xf32>
      %swap3A_230 = arith.index_cast %add3A_188 : i32 to index
      %swap3A_231 = arith.constant 16 : index
      %swap3A_232 = tpu.vector_load %arg8[%swap3A_230, %swap3A_231] {strides = array<i32>} : memref<128x128xf32, #tpu.memory_space<vmem>>, vector<1x16xf32>,
      %swap3A_233 = vector.shape_cast %swap3A_232 : vector<1x16xf32> to vector<16xf32>
      %swap3A_234 = vector.shape_cast %mul3A_229 : vector<16xf32> to vector<1x16xf32>
      tpu.vector_store %arg8[%swap3A_230, %swap3A_231], %swap3A_234 {strides = array<i32>} : memref<128x128xf32, #tpu.memory_space<vmem>>, vector<1x16xf32>,
      %mul3A_235 = arith.constant 5.000000e-03 : f32
      %mul3A_236 = vector.broadcast %mul3A_235 : f32 to vector<16xf32>
      %mul3A_237 = arith.mulf %scan3A_209#3, %mul3A_236 : vector<16xf32>
      %swap3A_238 = arith.index_cast %add3A_188 : i32 to index
      %swap3A_239 = arith.constant 80 : index
      %swap3A_240 = tpu.vector_load %arg8[%swap3A_238, %swap3A_239] {strides = array<i32>} : memref<128x128xf32, #tpu.memory_space<vmem>>, vector<1x16xf32>,
      %swap3A_241 = vector.shape_cast %swap3A_240 : vector<1x16xf32> to vector<16xf32>
      %swap3A_242 = vector.shape_cast %mul3A_237 : vector<16xf32> to vector<1x16xf32>
      tpu.vector_store %arg8[%swap3A_238, %swap3A_239], %swap3A_242 {strides = array<i32>} : memref<128x128xf32, #tpu.memory_space<vmem>>, vector<1x16xf32>,
      %mul3A_243 = arith.constant 5.000000e-03 : f32
      %mul3A_244 = vector.broadcast %mul3A_243 : f32 to vector<16xf32>
      %mul3A_245 = arith.mulf %scan3A_209#4, %mul3A_244 : vector<16xf32>
      %swap3A_246 = arith.index_cast %add3A_188 : i32 to index
      %swap3A_247 = arith.constant 32 : index
      %swap3A_248 = tpu.vector_load %arg8[%swap3A_246, %swap3A_247] {strides = array<i32>} : memref<128x128xf32, #tpu.memory_space<vmem>>, vector<1x16xf32>,
      %swap3A_249 = vector.shape_cast %swap3A_248 : vector<1x16xf32> to vector<16xf32>
      %swap3A_250 = vector.shape_cast %mul3A_245 : vector<16xf32> to vector<1x16xf32>
      tpu.vector_store %arg8[%swap3A_246, %swap3A_247], %swap3A_250 {strides = array<i32>} : memref<128x128xf32, #tpu.memory_space<vmem>>, vector<1x16xf32>,
      %mul3A_251 = arith.constant 5.000000e-03 : f32
      %mul3A_252 = vector.broadcast %mul3A_251 : f32 to vector<16xf32>
      %mul3A_253 = arith.mulf %scan3A_209#5, %mul3A_252 : vector<16xf32>
      %swap3A_254 = arith.index_cast %add3A_188 : i32 to index
      %swap3A_255 = arith.constant 96 : index
      %swap3A_256 = tpu.vector_load %arg8[%swap3A_254, %swap3A_255] {strides = array<i32>} : memref<128x128xf32, #tpu.memory_space<vmem>>, vector<1x16xf32>,
      %swap3A_257 = vector.shape_cast %swap3A_256 : vector<1x16xf32> to vector<16xf32>
      %swap3A_258 = vector.shape_cast %mul3A_253 : vector<16xf32> to vector<1x16xf32>
      tpu.vector_store %arg8[%swap3A_254, %swap3A_255], %swap3A_258 {strides = array<i32>} : memref<128x128xf32, #tpu.memory_space<vmem>>, vector<1x16xf32>,
      %mul3A_259 = arith.constant 5.000000e-03 : f32
      %mul3A_260 = vector.broadcast %mul3A_259 : f32 to vector<16xf32>
      %mul3A_261 = arith.mulf %scan3A_209#6, %mul3A_260 : vector<16xf32>
      %swap3A_262 = arith.index_cast %add3A_188 : i32 to index
      %swap3A_263 = arith.constant 48 : index
      %swap3A_264 = tpu.vector_load %arg8[%swap3A_262, %swap3A_263] {strides = array<i32>} : memref<128x128xf32, #tpu.memory_space<vmem>>, vector<1x16xf32>,
      %swap3A_265 = vector.shape_cast %swap3A_264 : vector<1x16xf32> to vector<16xf32>
      %swap3A_266 = vector.shape_cast %mul3A_261 : vector<16xf32> to vector<1x16xf32>
      tpu.vector_store %arg8[%swap3A_262, %swap3A_263], %swap3A_266 {strides = array<i32>} : memref<128x128xf32, #tpu.memory_space<vmem>>, vector<1x16xf32>,
      %mul3A_267 = arith.constant 5.000000e-03 : f32
      %mul3A_268 = vector.broadcast %mul3A_267 : f32 to vector<16xf32>
      %mul3A_269 = arith.mulf %scan3A_209#7, %mul3A_268 : vector<16xf32>
      %swap3A_270 = arith.index_cast %add3A_188 : i32 to index
      %swap3A_271 = arith.constant 112 : index
      %swap3A_272 = tpu.vector_load %arg8[%swap3A_270, %swap3A_271] {strides = array<i32>} : memref<128x128xf32, #tpu.memory_space<vmem>>, vector<1x16xf32>,
      %swap3A_273 = vector.shape_cast %swap3A_272 : vector<1x16xf32> to vector<16xf32>
      %swap3A_274 = vector.shape_cast %mul3A_269 : vector<16xf32> to vector<1x16xf32>
      tpu.vector_store %arg8[%swap3A_270, %swap3A_271], %swap3A_274 {strides = array<i32>} : memref<128x128xf32, #tpu.memory_space<vmem>>, vector<1x16xf32>,
    }
    %scan3A_28 = arith.constant 64 : i32
    %mul3A_29 = arith.constant 128 : i32
    %mul3A_30 = arith.muli %add3A, %mul3A_29 : i32
    "tpu.region"() ({
      %run_scoped3A = tpu.sem_alloc : memref<!tpu.dma_semaphore, #tpu.memory_space<semaphore_mem>>
      %dma_start3A_31 = arith.constant 0 : i32
      %dma_start3A_32 = tpu.memref_slice %arg4[%mul3A_30, %dma_start3A_31] : memref<4096x128xf32, #tpu.memory_space<hbm>> -> memref<128x128xf32, #tpu.memory_space<hbm>>
      %dma_start3A_33 = arith.constant 0 : i32
      %dma_start3A_34 = tpu.memref_slice %arg4[%mul3A_30, %dma_start3A_33] : memref<4096x128xf32, #tpu.memory_space<hbm>> -> memref<128x128xf32, #tpu.memory_space<hbm>>
      tpu.enqueue_dma source(%arg8 : memref<128x128xf32, #tpu.memory_space<vmem>>) target(%dma_start3A_34 : memref<128x128xf32, #tpu.memory_space<hbm>>) target_semaphore(%run_scoped3A : memref<!tpu.dma_semaphore, #tpu.memory_space<semaphore_mem>>)
      %dma_wait3A = arith.constant 0 : i32
      %dma_wait3A_35 = tpu.memref_slice %arg4[%mul3A_30, %dma_wait3A] : memref<4096x128xf32, #tpu.memory_space<hbm>> -> memref<128x128xf32, #tpu.memory_space<hbm>>
      %dma_wait3A_36 = arith.constant 0 : i32
      %dma_wait3A_37 = tpu.memref_slice %arg4[%mul3A_30, %dma_wait3A_36] : memref<4096x128xf32, #tpu.memory_space<hbm>> -> memref<128x128xf32, #tpu.memory_space<hbm>>
      tpu.wait_dma2 semaphore(%run_scoped3A : memref<!tpu.dma_semaphore, #tpu.memory_space<semaphore_mem>>) src(%arg8 : memref<128x128xf32, #tpu.memory_space<vmem>>) dst(%dma_wait3A_37 : memref<128x128xf32, #tpu.memory_space<hbm>>)
      tpu.yield
    }) : () -> ()
    return
  }
}

</mosaic_0001>

<sc_bundles>
// kernel: _encode.3.cloned.1.call-start
scs
__scs_entry_jumppad:
0x0: {  	(pc) =	sbr.rel $0x88, $3  }
0x1: {  	(tag) =	ssettag $0x0;
	lr =	simm.s32 $0x1  }
0x2: {  	[smem:$0x3F9F] =	sst lr;
	_ =	strace $0xD0000000  }
0x3: {  	_ = 	snop  }
0x4: {  	_ = 	snop  }
0x5: {  	_ = 	snop  }
0x6: {  	_ = 	snop  }
0x7: {  	_ = 	snop  }
__scs_overlays_trampoline_lowered:
0x8: {  	[smem:$0x3FAE] =	sst s0  }
0x9: {  	[smem:$0x3FAF] =	sst s1  }
0xa: {  	[smem:$0x3FB0] =	sst s2  }
0xb: {  	[smem:$0x3FB1] =	sst s3  }
0xc: {  	[smem:$0x3FB2] =	sst s4  }
0xd: {  	[smem:$0x3FB3] =	sst s5  }
0xe: {  	[smem:$0x3FB4] =	sst s6  }
0xf: {  	[smem:$0x3FB5] =	sst s7  }
0x10: {  	[smem:$0x3FB6] =	sst s8  }
0x11: {  	[smem:$0x3FB7] =	sst s9;
	s0 =	simm.s32 @!p0 $0x0  }
0x12: {  	s1 =	sld [smem:$0x3F9D];
	s0 =	simm.s32 @p0 $0x1  }
0x13: {  	[smem:$0x3FB8] =	sst s0;
	s0 =	simm.s32 @!p1 $0x0  }
0x14: {  	s2 =	sld [smem:$0x3F9C];
	s0 =	simm.s32 @p1 $0x1  }
0x15: {  	[smem:$0x3FB9] =	sst s0;
	s0 =	simm.s32 @!p2 $0x0  }
0x16: {  	s3 =	sld [smem:$0x3FDB];
	s0 =	simm.s32 @p2 $0x1  }
0x17: {  	s4 =	simm.s32 $0x1BF5;
	[smem:$0x3FBB] =	sst s0  }
0x18: {  	s0 =	sld [smem:$0x3F9E];
	_ =	swait.ge [sflag:s4], $0x0  }
0x19: {  	s7 =	sld [smem:$0x3F9F]  }
0x1a: {  	s8 =	sadd.s32 $0xFFFFE003, lr  }
0x1b: {  	s9 =	sadd.s32 $0xFFFFFEF7, lr;
	s5 =	simm.s32 $0xFFFFFFFF;
	p2 =	slt.u32 s8, $0xFFFFF086  }
0x1c: {  	p1 =	slt.u32 s9, $0xF7A;
	s5 =	simm.s32 @!p2 $0x0  }
0x1d: {  	s5 =	simm.s32 @p1 $0x1;
	p0 =	seq.s32 s7, s2  }
0x1e: {  	s7 =	smul.u32 @!p0 $0xF7A, s2;
	p2 =	seq.s32 @!p0 s5, $0x0  }
0x1f: {  	s9 =	smul.u32 $0xF7A, s1;
	s8 =	simm.s32 @!p0 $0x1BF5;
	p2 =	por !p2, p0  }
0x20: {  	[sflag:s8] =	ssyncset.s32 @!p0 $0xFFFFF086;
	s6 =	sadd.s32 @!p0 s3, s7;
	s7 =	simm.s32 @!p0 $0x108  }
0x21: {  	s3 =	sadd.s32 s3, s9;
	s6 =	sadd.s32 @!p0 $0x88, s6;
	s7 =	simm.s32 @p2 $0x1082  }
0x22: {  	[simem:s7], [sflag:s8] =	dma.local @!p0 [hbm:s6], $0xF7A  }
0x23: {  	s9 =	sor.u32 $0xD0000000, s2;
	s6 =	simm.s32 $0x108;
	_ =	swait.ge @!p0 [sflag:s8], $0x0  }
0x24: {  	s3 =	sadd.s32 $0x88, s3;
	s6 =	simm.s32 @!p1 $0x1082;
	[sflag:s4] =	ssyncset.s32 $0xFFFFF086  }
0x25: {  	[simem:s6], [sflag:s4] =	dma.local [hbm:s3], $0xF7A  }
0x26: {  	[smem:$0x3F9F] =	sst s1;
	(tag) =	ssettag s2;
	_ =	strace s9  }
0x27: {  	s1 =	sld [smem:$0x3FAF]  }
0x28: {  	s2 =	sld [smem:$0x3FB0]  }
0x29: {  	s4 =	sld [smem:$0x3FB2]  }
0x2a: {  	p0 =	seq.s32 s5, $0x0;
	s5 =	sld [smem:$0x3FB3]  }
0x2b: {  	s6 =	sld [smem:$0x3FB4]  }
0x2c: {  	s7 =	sld [smem:$0x3FB5]  }
0x2d: {  	s3 =	simm.s32 $0x108;
	s8 =	sld [smem:$0x3FB6]  }
0x2e: {  	s3 =	simm.s32 @!p0 $0x1082;
	s9 =	sld [smem:$0x3FB7]  }
0x2f: {  	lr =	sadd.s32 s0, s3;
	s0 =	sld [smem:$0x3FAE]  }
0x30: {  	s3 =	sld [smem:$0x3FB1]  }
0x31: {  	[smem:$0x3FBA] =	sst s10  }
0x32: {  	s10 =	sld [smem:$0x3FB8];
	_ =	sdelay $0x3  }
0x33: {  	p0 =	seq.s32 s10, $0x1;
	s10 =	sld [smem:$0x3FBA];
	_ =	sdelay $0x3  }
0x34: {  	[smem:$0x3FBA] =	sst s10  }
0x35: {  	s10 =	sld [smem:$0x3FB9];
	_ =	sdelay $0x3  }
0x36: {  	p1 =	seq.s32 s10, $0x1;
	s10 =	sld [smem:$0x3FBA];
	_ =	sdelay $0x3  }
0x37: {  	[smem:$0x3FBA] =	sst s10  }
0x38: {  	s10 =	sld [smem:$0x3FBB]  }
0x39: {  	_ = 	snop;
	(pc) =	sbr.ind lr, $3  }
0x3a: {  	_ = 	snop  }
0x3b: {  	_ = 	snop  }
0x3c: {  	p2 =	seq.s32 s10, $0x1;
	s10 =	sld [smem:$0x3FBA]  }
0x3d: {  	_ =	shalt  }
0x3e: {  	_ =	shalt  }
0x3f: {  	_ =	shalt  }
0x40: {  	_ =	shalt  }
0x41: {  	_ =	shalt  }
0x42: {  	_ =	shalt  }
0x43: {  	_ =	shalt  }
0x44: {  	_ =	shalt  }
0x45: {  	_ =	shalt  }
0x46: {  	_ =	shalt  }
0x47: {  	_ =	shalt  }
0x48: {  	_ =	shalt  }
0x49: {  	_ =	shalt  }
0x4a: {  	_ =	shalt  }
0x4b: {  	_ =	shalt  }
0x4c: {  	_ =	shalt  }
0x4d: {  	_ =	shalt  }
0x4e: {  	_ =	shalt  }
0x4f: {  	_ =	shalt  }
0x50: {  	_ =	shalt  }
0x51: {  	_ =	shalt  }
0x52: {  	_ =	shalt  }
0x53: {  	_ =	shalt  }
0x54: {  	_ =	shalt  }
0x55: {  	_ =	shalt  }
0x56: {  	_ =	shalt  }
0x57: {  	_ =	shalt  }
0x58: {  	_ =	shalt  }
0x59: {  	_ =	shalt  }
0x5a: {  	_ =	shalt  }
0x5b: {  	_ =	shalt  }
0x5c: {  	_ =	shalt  }
0x5d: {  	_ =	shalt  }
0x5e: {  	_ =	shalt  }
0x5f: {  	_ =	shalt  }
0x60: {  	_ =	shalt  }
0x61: {  	_ =	shalt  }
0x62: {  	_ =	shalt  }
0x63: {  	_ =	shalt  }
0x64: {  	_ =	shalt  }
0x65: {  	_ =	shalt  }
0x66: {  	_ =	shalt  }
0x67: {  	_ =	shalt  }
0x68: {  	_ =	shalt  }
0x69: {  	_ =	shalt  }
0x6a: {  	_ =	shalt  }
0x6b: {  	_ =	shalt  }
0x6c: {  	_ =	shalt  }
0x6d: {  	_ =	shalt  }
0x6e: {  	_ =	shalt  }
0x6f: {  	_ =	shalt  }
0x70: {  	_ =	shalt  }
0x71: {  	_ =	shalt  }
0x72: {  	_ =	shalt  }
0x73: {  	_ =	shalt  }
0x74: {  	_ =	shalt  }
0x75: {  	_ =	shalt  }
0x76: {  	_ =	shalt  }
0x77: {  	_ =	shalt  }
0x78: {  	_ =	shalt  }
0x79: {  	_ =	shalt  }
0x7a: {  	_ =	shalt  }
0x7b: {  	_ =	shalt  }
0x7c: {  	_ =	shalt  }
0x7d: {  	_ =	shalt  }
0x7e: {  	_ =	shalt  }
0x7f: {  	_ =	shalt  }
0x80: {  	_ =	shalt  }
0x81: {  	_ =	shalt  }
0x82: {  	_ =	shalt  }
0x83: {  	_ =	shalt  }
0x84: {  	_ =	shalt  }
0x85: {  	_ =	shalt  }
0x86: {  	_ =	shalt  }
0x87: {  	_ =	shalt  }
.Lfunc_end0:
.L_simem_size_0:
called_computation_lowered:
.L_overlay_start_0:
0x88: {  	s2 =	sld [smem:$0x3FD9]  }
0x89: {  	s3 =	sld [smem:$0x3FFE];
	_ =	sdelay $0x1  }
0x8a: {  	s1 =	srdreg.scid  }
0x8b: {  	s0 =	sand.u32 $0x1, s1  }
0x8c: {  	s17 =	sshll.u32 s0, $0xA;
	s2 =	sadd.s32 s3, s2  }
0x8d: {  	s2 =	sadd.s32 s2, s17  }
0x8e: {  	[smem:$0x3FC6] =	sst s2  }
0x8f: {  	_ = 	snop  }
0x90: {  	s2 =	sld [smem:$0x3FD0];
	(tm) =	ssettm $0x1  }
0x91: {  	s18 =	sld [smem:$0x3FFB];
	_ =	sdelay $0x3  }
0x92: {  	_ =	strace s18  }
0x93: {  	s3 =	sld [smem:$0x3FFC];
	_ =	sdelay $0x3  }
0x94: {  	_ =	strace s3  }
0x95: {  	s3 =	sld [smem:$0x3FFD];
	_ =	sdelay $0x3  }
0x96: {  	_ =	strace s3  }
0x97: {  	_ =	strace $0x8FFFFFFF  }
0x98: {  	s19 =	sld [smem:$0x3FDB];
	_ =	sdelay $0x1  }
0x99: {  	s4 =	simm.s32 $_scs_section_size  }
0x9a: {  	s5 =	simm.s32 $_size__tile_overlayer_lowered;
	s6 =	simm.s32 $_tile_overlayer_lowered  }
0x9b: {  	s22 =	simm.s32 $0x1BFF;
	s21 =	sshll.u32 s6, $0x1;
	s3 =	sadd.s32 s4, s19  }
0x9c: {  	s7 =	simm.s32 $0x0;
	s20 =	sshll.u32 s5, $0x1;
	s5 =	sadd.s32 s21, s3  }
0x9d: {  	[timem:s7], [sflag:s22] =	dma.local [hbm:s5], s20  }
0x9e: {  	_ =	swait.ge [sflag:s22], s20  }
0x9f: {  	s4 =	ssub.s32 $0x0, s20;
	[sflag:s22] =	ssyncset.done $0x0  }
0xa0: {  	[sflag:s22] =	ssyncadd.s32 s4;
	_ =	sdelay $0x1  }
0xa1: {  	s23 =	simm.s32 $0x1B8B  }
0xa2: {  	_ =	swait.ge [sflag:s23], $0x1  }
0xa3: {  	[sflag:s23] =	ssyncset.done $0x0  }
0xa4: {  	s25 =	simm.s32 $0x1B8E;
	s24 =	sld [smem:$0x3FFE];
	[sflag:s23] =	ssyncadd.s32 $0xFFFFFFFF  }
0xa5: {  	s26 =	simm.s32 $execute0_lowered;
	[smem:$0x3FD2] =	sst s25  }
0xa6: {  	s5 =	sshll.u32 s26, $0x1;
	_ =	strace $0x80000046;
	[dreg:$0x1] =	wrdreg $0xFFFFFFFF  }
0xa7: {  	s28 =	simm.s32 $_size_execute0_lowered;
	s3 =	sadd.s32 s3, s5;
	[dreg:$0x0] =	wrdreg $0x0  }
0xa8: {  	s5 =	sshll.u32 s28, $0x1;
	[dreg:$0x2] =	wrdreg s3  }
0xa9: {  	[dreg:$0x3] =	wrdreg s5  }
0xaa: {  	[dreg:$0x4] =	wrdreg $0xC0  }
0xab: {  	_ =	task [dreg:s7], $0x5FFFF  }
0xac: {  	[dreg:$0x1] =	wrdreg $0xFFFFFFFF  }
0xad: {  	[dreg:$0x0] =	wrdreg $0x60  }
0xae: {  	[dreg:$0x2] =	wrdreg s24  }
0xaf: {  	[dreg:$0x3] =	wrdreg s2  }
0xb0: {  	[dreg:$0x4] =	wrdreg $0x10C000  }
0xb1: {  	[dreg:$0x5] =	wrdreg $0x9  }
0xb2: {  	_ =	task.clear_ibuf [dreg:s7], $0x6FFFF;
	_ =	strace $0x90000046  }
0xb3: {  	s29 =	simm.s32 $0x9;
	_ =	strace $0x80000048  }
0xb4: {  	_ =	swait.ge [sflag:s29], $0x1  }
0xb5: {  	[sflag:s29] =	ssyncadd.s32 $0xFFFFFFFF  }
0xb6: {  	_ =	strace $0x90000048  }
0xb7: {  	_ =	sfence  }
0xb8: {  	s30 =	sld [smem:$0x0];
	_ =	sdelay $0x2  }
0xb9: {  	s31 =	sshll.u32 s1, $0xD;
	s1 =	sshrl.u32 s1, $0x2  }
0xba: {  	s3 =	sand.u32 $0x4000, s31;
	s1 =	sadd.s32 s1, s30  }
0xbb: {  	s0 =	sor.u32 s3, s0;
	s1 =	sshll.u32 s1, $0x11  }
0xbc: {  	s0 =	sor.u32 s1, s0  }
0xbd: {  	s0 =	sadd.s32 $0x8F2B, s0  }
0xbe: {  	[sflag:s0] =	ssyncadd.remote.s32 $0x1  }
0xbf: {  	_ =	sfence.sel $0xFFFF  }
0xc0: {  	[dreg:$0x0] =	wrdreg $0xFFFFFFFF;
	(pc) =	sbr.abs _section_cstart, $3  }
0xc1: {  	[dreg:$0x1] =	wrdreg $0xFFFFFFFF  }
0xc2: {  	_ =	task.clear_ibuf [dreg:s7], $0x2FFFF;
	_ =	strace $0x9FFFFFFF  }
0xc3: {  	(tm) =	ssettm $0x7FFFFFFF  }
tec
execute0_lowered:
.L_overlay_start_1:
0x0: {  	(tag) =	ssettag $0x1  }
0x1: {  	s3 =	rddreg [dreg:$0x0]  }
0x2: {  	s5 =	rddreg [dreg:$0x1];
	s0 =	srdreg.scid  }
0x3: {  	s7 =	stileid.u32;
	s1 =	rddreg [dreg:$0x2]  }
0x4: {  	s2 =	simm.s32 $0x0;
	s10 =	simm.s32 $0x6800;
	s11 =	simm.s32 $0x68  }
0x5: {  	s12 =	simm.s32 $0x8100;
	s13 =	simm.s32 $0x9A00;
	s14 =	simm.s32 $0xB300  }
0x6: {  	s15 =	simm.s32 $0x1;
	s16 =	simm.s32 $0x2;
	s17 =	simm.s32 $0xCC00  }
0x7: {  	s18 =	simm.s32 $0x0;
	s4 =	sand.u32 $0x1, s0;
	s0 =	rddreg [dreg:$0x3]  }
0x8: {  	s6 =	sshll.u32 s7, $0x1;
	[smem:$0x7FF] =	sst s2;
	p0 =	sne.s32 s7, $0x0  }
0x9: {  	s6 =	sor.u32 s4, s6;
	_ =	strace $0x80000047;
	s4 =	ssub.s32 $0x2, s4  }
0xa: {  	s8 =	smul.u32 $0xD00, s6;
	s9 =	sshrl.u32 s4, $0x1;
	s6 =	sshll.u32 s6, $0xB  }
0xb: {  	s7 =	sshrl.u32 @!p0 s1, $0x3;
	s9 =	ssub.s32 s4, s9;
	s5 =	sadd.s32 s5, s6  }
0xc: {  	s8 =	sadd.s32 s8, s3;
	s3 =	sadd.s32 $0x1A600, s3;
	s6 =	smax.u32 s9, $0x1  }
0xd: {  	s9 =	simm.s32 $0x64;
	s4 =	sadd.s32 $0x600, s8;
	s8 =	simm.s32 $0x3  }
.LBB2_1:
0xe: {  	s19 =	simm.s32 @!p0 $0x1C03  }
0xf: {  	[spmem:s7], [sflag:s19] =	dma.local @!p0 [hbm:s3], $0x13880  }
0x10: {  	s19 =	simm.s32 @!p0 $0x3  }
0x11: {  	_ =	swait.ge @!p0 [sflag:s19], $0x13880  }
0x12: {  	[sflag:s19] =	ssyncset.done @!p0 $0x0  }
0x13: {  	[sflag:s19] =	ssyncadd.s32 @!p0 $0xFFFEC780  }
0x14: {  	[bflag:$0x0] =	sbarrier.arrive $0xFFFF  }
0x15: {  	[tilespmem:s2], [sflag:$0x3] =	stream.linear.gather [hbm4b:s4+s2], $0x6800, $0x38;
	[tilespmem:$0x1A840] =	vst v63  }
0x16: {  	_ =	swait.ge [sflag:s8], $0x6800  }
0x17: {  	[sflag:s8] =	ssyncset.done $0x0  }
0x18: {  	[sflag:s8] =	ssyncadd.s32 $0xFFFF9800  }
0x19: {  	[tilespmem:s10], [sflag:$0x1] =	stream.indirect.gather [spmem:s1], $0x40, s2, s9, $0xb8;
	[tilespmem:$0x1A840] =	vst v63  }
0x1a: {  	s19 =	simm.s32 $0x0  }
0x1b: {  	[tilespmem:s12], [sflag:$0x1] =	stream.indirect.gather [spmem:s1], $0x40, s11, s9, $0xb8;
	[tilespmem:$0x1A840] =	vst v63  }
.LBB2_2:
0x1c: {  	s20 =	sshllo.u32 s19, $0x1  }
0x1d: {  	s21 =	smul.u32 $0x340, s20;
	_ =	sdelay $0x1  }
0x1e: {  	s21 =	sshra.s32 s21, $0x2  }
0x1f: {  	[tilespmem:s13], [sflag:$0x2] =	stream.indirect.gather [spmem:s1], $0x40, s21, s9, $0xb8;
	[tilespmem:$0x1A840] =	vst v63  }
0x20: {  	s21 =	sadd.s32 $0x68, s21  }
0x21: {  	[tilespmem:s14], [sflag:$0x2] =	stream.indirect.gather [spmem:s1], $0x40, s21, s9, $0xb8;
	[tilespmem:$0x1A840] =	vst v63  }
0x22: {  	_ =	swait.ge [sflag:s15], $0x1900  }
0x23: {  	[sflag:s15] =	ssyncset.done $0x0  }
0x24: {  	[sflag:s15] =	ssyncadd.s32 $0xFFFFE700  }
0x25: {  	_ =	swait.ge [sflag:s15], $0x1900  }
0x26: {  	[sflag:s15] =	ssyncset.done $0x0  }
0x27: {  	s22 =	simm.s32 $0x6840;
	[sflag:s15] =	ssyncadd.s32 $0xFFFFE700  }
0x28: {  	v1 =	vld [tilespmem:s22+$0xFFFFFFC0]  }
0x29: {  	v7 =	vld [tilespmem:s22+$0xFFFFFFD0]  }
0x2a: {  	v5 =	vld [tilespmem:s22+$0x0]  }
0x2b: {  	v3 =	vld [tilespmem:s22+$0x10]  }
0x2c: {  	v6 =	vimm.f32 $0.0e+00;
	v9 =	vimm.f32 $0.0e+00;
	v4 =	vld [tilespmem:s22+$0xFFFFFFE0]  }
0x2d: {  	v8 =	vimm.f32 $0.0e+00;
	v0 =	vld [tilespmem:s22+$0xFFFFFFF0];
	v2 =	vshll.u32 v1, $0x10;
	v10 =	vadd.f32 v1, v6  }
0x2e: {  	v1 =	vshll.u32 v7, $0x10;
	v13 =	vadd.f32 v7, v6;
	v11 =	vadd.f32 v2, v6;
	v2 =	vld [tilespmem:s22+$0x20]  }
0x2f: {  	s21 =	simm.s32 $0x0;
	v14 =	vshll.u32 v5, $0x10;
	v7 =	vimm.f32 $0.0e+00;
	v12 =	vadd.f32 v1, v6;
	v1 =	vld [tilespmem:s22+$0x30];
	s22 =	simm.s32 $0x68C0  }
.LBB2_3:
0x30: {  	v15 =	vld [tilespmem:s22+$0xFFFFFFC0];
	v11 =	vadd.f32 v14, v11;
	v10 =	vadd.f32 v5, v10;
	v5 =	vshll.u32 v3, $0x10  }
0x31: {  	s21 =	sadd.s32 $0x2, s21;
	v14 =	vld [tilespmem:s22+$0xFFFFFFD0];
	v16 =	vshll.u32 v4, $0x10;
	v12 =	vadd.f32 v5, v12;
	v13 =	vadd.f32 v3, v13  }
0x32: {  	v9 =	vadd.f32 v4, v9;
	p1 =	slt.u32 s21, $0xC6;
	v5 =	vld [tilespmem:s22+$0x0];
	v6 =	vadd.f32 v16, v6;
	v4 =	vshll.u32 v0, $0x10  }
.Ltmp0:
0x33: {  	v7 =	vadd.f32 v0, v7;
	v3 =	vld [tilespmem:s22+$0x10];
	v8 =	vadd.f32 v4, v8;
	v0 =	vshll.u32 v2, $0x10;
	(pc) =	sbr.rel @p1 .LBB2_3-.Ltmp0, $4  }
0x34: {  	v9 =	vadd.f32 v2, v9;
	v4 =	vld [tilespmem:s22+$0xFFFFFFE0];
	v6 =	vadd.f32 v0, v6;
	v2 =	vshll.u32 v1, $0x10  }
0x35: {  	v7 =	vadd.f32 v1, v7;
	v16 =	vshll.u32 v15, $0x10;
	v0 =	vld [tilespmem:s22+$0xFFFFFFF0];
	v8 =	vadd.f32 v2, v8  }
0x36: {  	v10 =	vadd.f32 v15, v10;
	v11 =	vadd.f32 v16, v11;
	v1 =	vshll.u32 v14, $0x10;
	v2 =	vld [tilespmem:s22+$0x20]  }
0x37: {  	v13 =	vadd.f32 v14, v13;
	v12 =	vadd.f32 v1, v12;
	v14 =	vshll.u32 v5, $0x10;
	v1 =	vld [tilespmem:s22+$0x30];
	s22 =	sadd.s32 $0x80, s22  }
0x38: {  	v11 =	vadd.f32 v14, v11;
	v14 =	vshll.u32 v3, $0x10  }
0x39: {  	v5 =	vadd.f32 v5, v10;
	v12 =	vadd.f32 v14, v12  }
0x3a: {  	v10 =	vshll.u32 v4, $0x10;
	v3 =	vadd.f32 v3, v13;
	v4 =	vadd.f32 v4, v9  }
0x3b: {  	s21 =	sshll.u32 s19, $0x8;
	v6 =	vadd.f32 v10, v6;
	v9 =	vshll.u32 v0, $0x10;
	v10 =	vmul.f32 $4.999999890e-03, v11  }
0x3c: {  	s21 =	sand.u32 $0x3FFFFF00, s21;
	v5 =	vmul.f32 $4.999999890e-03, v5;
	v0 =	vadd.f32 v0, v7;
	v8 =	vadd.f32 v9, v8  }
0x3d: {  	v9 =	vshll.u32 v2, $0x10;
	v7 =	vmul.f32 $4.999999890e-03, v12;
	v2 =	vadd.f32 v2, v4;
	[tilespmem:s21+$0xCC00] =	vst v10  }
0x3e: {  	v3 =	vmul.f32 $4.999999890e-03, v3;
	v6 =	vadd.f32 v9, v6;
	[tilespmem:s21+$0xCC40] =	vst v5  }
0x3f: {  	v4 =	vshll.u32 v1, $0x10;
	v0 =	vadd.f32 v1, v0;
	[tilespmem:s21+$0xCC10] =	vst v7;
	v1 =	vmul.f32 $4.999999890e-03, v2  }
0x40: {  	p1 =	seq.s32 s19, $0x3F;
	v4 =	vadd.f32 v4, v8;
	[tilespmem:s21+$0xCC50] =	vst v3;
	v5 =	vmul.f32 $4.999999890e-03, v6  }
0x41: {  	s22 =	smul.u32 @!p1 $0x680, s19;
	v0 =	vmul.f32 $4.999999890e-03, v0;
	[tilespmem:s21+$0xCC60] =	vst v1  }
0x42: {  	v2 =	vmul.f32 $4.999999890e-03, v4;
	[tilespmem:s21+$0xCC20] =	vst v5  }
0x43: {  	s22 =	sshra.s32 @!p1 s22, $0x2;
	[tilespmem:s21+$0xCC70] =	vst v0  }
0x44: {  	s23 =	simm.s32 @!p1 $0x64;
	s24 =	simm.s32 @!p1 $0x6800;
	[tilespmem:s21+$0xCC30] =	vst v2;
	s21 =	sadd.s32 @!p1 $0x1A0, s22  }
0x45: {  	[tilespmem:s24], [sflag:$0x1] =	stream.indirect.gather @!p1 [spmem:s1], $0x40, s21, s23, $0xb8;
	[tilespmem:$0x1A840] =	vst v63  }
0x46: {  	s21 =	sadd.s32 @!p1 $0x208, s22;
	s22 =	simm.s32 @!p1 $0x8100  }
0x47: {  	[tilespmem:s22], [sflag:$0x1] =	stream.indirect.gather @!p1 [spmem:s1], $0x40, s21, s23, $0xb8;
	[tilespmem:$0x1A840] =	vst v63  }
0x48: {  	_ =	swait.ge [sflag:s16], $0x1900  }
0x49: {  	[sflag:s16] =	ssyncset.done $0x0  }
0x4a: {  	[sflag:s16] =	ssyncadd.s32 $0xFFFFE700  }
0x4b: {  	_ =	swait.ge [sflag:s16], $0x1900  }
0x4c: {  	[sflag:s16] =	ssyncset.done $0x0  }
0x4d: {  	s31 =	simm.s32 $0x9A40;
	[sflag:s16] =	ssyncadd.s32 $0xFFFFE700  }
0x4e: {  	v1 =	vld [tilespmem:s31+$0xFFFFFFC0]  }
0x4f: {  	v7 =	vld [tilespmem:s31+$0xFFFFFFD0]  }
0x50: {  	v5 =	vld [tilespmem:s31+$0x0]  }
0x51: {  	v3 =	vld [tilespmem:s31+$0x10]  }
0x52: {  	v9 =	vimm.f32 $0.0e+00;
	v6 =	vimm.f32 $0.0e+00;
	v4 =	vld [tilespmem:s31+$0xFFFFFFE0]  }
0x53: {  	v8 =	vimm.f32 $0.0e+00;
	v0 =	vld [tilespmem:s31+$0xFFFFFFF0];
	v2 =	vshll.u32 v1, $0x10;
	v10 =	vadd.f32 v1, v6  }
0x54: {  	v1 =	vshll.u32 v7, $0x10;
	v13 =	vadd.f32 v7, v6;
	v11 =	vadd.f32 v2, v6;
	v2 =	vld [tilespmem:s31+$0x20]  }
0x55: {  	s21 =	simm.s32 $0x0;
	s22 =	simm.s32 $0x9AC0;
	v14 =	vshll.u32 v5, $0x10;
	v7 =	vimm.f32 $0.0e+00;
	v12 =	vadd.f32 v1, v6;
	v1 =	vld [tilespmem:s31+$0x30]  }
.LBB2_5:
0x56: {  	v15 =	vld [tilespmem:s22+$0xFFFFFFC0];
	v11 =	vadd.f32 v14, v11;
	v10 =	vadd.f32 v5, v10;
	v5 =	vshll.u32 v3, $0x10  }
0x57: {  	s21 =	sadd.s32 $0x2, s21;
	v14 =	vld [tilespmem:s22+$0xFFFFFFD0];
	v16 =	vshll.u32 v4, $0x10;
	v12 =	vadd.f32 v5, v12;
	v13 =	vadd.f32 v3, v13  }
0x58: {  	v9 =	vadd.f32 v4, v9;
	p1 =	slt.u32 s21, $0xC6;
	v5 =	vld [tilespmem:s22+$0x0];
	v6 =	vadd.f32 v16, v6;
	v4 =	vshll.u32 v0, $0x10  }
.Ltmp1:
0x59: {  	v7 =	vadd.f32 v0, v7;
	v3 =	vld [tilespmem:s22+$0x10];
	v8 =	vadd.f32 v4, v8;
	v0 =	vshll.u32 v2, $0x10;
	(pc) =	sbr.rel @p1 .LBB2_5-.Ltmp1, $4  }
0x5a: {  	v9 =	vadd.f32 v2, v9;
	v4 =	vld [tilespmem:s22+$0xFFFFFFE0];
	v6 =	vadd.f32 v0, v6;
	v2 =	vshll.u32 v1, $0x10  }
0x5b: {  	v7 =	vadd.f32 v1, v7;
	v16 =	vshll.u32 v15, $0x10;
	v0 =	vld [tilespmem:s22+$0xFFFFFFF0];
	v8 =	vadd.f32 v2, v8  }
0x5c: {  	v10 =	vadd.f32 v15, v10;
	v11 =	vadd.f32 v16, v11;
	v1 =	vshll.u32 v14, $0x10;
	v2 =	vld [tilespmem:s22+$0x20]  }
0x5d: {  	v13 =	vadd.f32 v14, v13;
	v12 =	vadd.f32 v1, v12;
	v14 =	vshll.u32 v5, $0x10;
	v1 =	vld [tilespmem:s22+$0x30];
	s22 =	sadd.s32 $0x80, s22  }
0x5e: {  	v11 =	vadd.f32 v14, v11;
	v50 =	vshll.u32 v3, $0x10;
	v5 =	vadd.f32 v5, v10  }
0x5f: {  	v51 =	vshll.u32 v4, $0x10;
	v12 =	vadd.f32 v50, v12;
	v52 =	vadd.f32 v3, v13  }
0x60: {  	s20 =	sshll.u32 s20, $0x7;
	v53 =	vadd.f32 v4, v9;
	v6 =	vadd.f32 v51, v6;
	v55 =	vmul.f32 $4.999999890e-03, v11  }
0x61: {  	s20 =	sand.u32 $0x3FFFFF80, s20;
	v54 =	vshll.u32 v0, $0x10;
	v5 =	vmul.f32 $4.999999890e-03, v5;
	v57 =	vadd.f32 v0, v7  }
0x62: {  	v56 =	vshll.u32 v2, $0x10;
	v58 =	vmul.f32 $4.999999890e-03, v12;
	v59 =	vadd.f32 v2, v53;
	[tilespmem:s20+$0xCC00] =	vst v55  }
0x63: {  	s19 =	sadd.s32 $0x1, s19;
	v8 =	vadd.f32 v54, v8;
	v3 =	vmul.f32 $4.999999890e-03, v52;
	v6 =	vadd.f32 v56, v6;
	[tilespmem:s20+$0xCC40] =	vst v5  }
0x64: {  	p1 =	sne.s32 s19, $0x40;
	v60 =	vshll.u32 v1, $0x10;
	v0 =	vadd.f32 v1, v57;
	[tilespmem:s20+$0xCC10] =	vst v58;
	v62 =	vmul.f32 $4.999999890e-03, v59  }
.Ltmp2:
0x65: {  	v4 =	vadd.f32 v60, v8;
	[tilespmem:s20+$0xCC50] =	vst v3;
	v61 =	vmul.f32 $4.999999890e-03, v6;
	(pc) =	sbr.rel @p1 .LBB2_2-.Ltmp2, $4  }
0x66: {  	v0 =	vmul.f32 $4.999999890e-03, v0;
	[tilespmem:s20+$0xCC60] =	vst v62  }
0x67: {  	v63 =	vmul.f32 $4.999999890e-03, v4;
	[tilespmem:s20+$0xCC20] =	vst v61  }
0x68: {  	[tilespmem:s20+$0xCC70] =	vst v0  }
0x69: {  	[tilespmem:s20+$0xCC30] =	vst v63  }
0x6a: {  	s18 =	sadd.s32 $0x1, s18  }
0x6b: {  	p1 =	sne.s32 s18, s6  }
.Ltmp3:
0x6c: {  	_ = 	snop;
	(pc) =	sbr.rel @p1 .LBB2_1-.Ltmp3, $4  }
0x6d: {  	[hbm4b:s5+s2] =	stream.linear.scatter [tilespmem:s17], [sflag:$0x3], $0x4000, $0x38;
	[tilespmem:$0x1A840] =	vst v63  }
0x6e: {  	_ =	swait.ge [sflag:s8], $0x4000  }
0x6f: {  	[sflag:s8] =	ssyncset.done $0x0  }
0x70: {  	[sflag:s8] =	ssyncadd.s32 $0xFFFFC000  }
0x71: {  	_ =	sfence.sel $0x180000  }
0x72: {  	[bflag:$0x0] =	sbarrier.arrive $0xFFFF  }
0x73: {  	_ =	strace $0x90000047  }
0x74: {  	s0 =	sadd.s32 @!p0 $0x100000, s0;
	[bflag:$0x2] =	sbarrier.arrive $0xFFFF  }
0x75: {  	[sflag:s0] =	ssyncadd.tile.s32 @!p0 $0x1;
	_ =	shalt  }
.Lfunc_end2:
_tile_overlayer_lowered:
.L_overlay_start_2:
0x76: {  	(tag) =	ssettag $0x2  }
0x77: {  	s0 =	rddreg [dreg:$0x0];
	s2 =	stileid.u32  }
0x78: {  	s1 =	rddreg [dreg:$0x1];
	p0 =	sne.s32 s2, $0x0  }
0x79: {  	s3 =	rddreg [dreg:$0x2];
	[bflag:$0x3] =	sbarrier.arrive $0xFFFF;
	s2 =	simm.s32 @!p0 $0x1C03  }
0x7a: {  	[timem:s3], [sflag:s2] =	dma.local @!p0 [hbm:s0], s1  }
0x7b: {  	s0 =	simm.s32 @!p0 $0x3  }
0x7c: {  	_ =	swait.ge @!p0 [sflag:s0], s1  }
0x7d: {  	s1 =	ssub.s32 @!p0 $0x0, s1;
	[sflag:s0] =	ssyncset.done @!p0 $0x0  }
0x7e: {  	[sflag:s0] =	ssyncadd.s32 @!p0 s1  }
0x7f: {  	[bflag:$0x3] =	sbarrier.arrive $0xFFFF  }
0x80: {  	_ =	shalt  }

</sc_bundles>
